<compile_context>
chip_gen: v7x
topology: tpu7x:2x2x1
jax: 0.10.2.dev20260603
libtpu: 0.0.44.dev20260713+nightly
codegen_flags: <defaults>
</compile_context>

<pallas_src>
import functools

import jax
import jax.numpy as jnp
from jax import lax
from jax.experimental import pallas as pl
from jax.experimental.pallas import tpu as pltpu
from jax.experimental.pallas import tpu_sc as plsc

N = 10000
E = 320000
D = 128
K = 64
INF = 3 * D

NC = 2
NS = 16
NW = NC * NS
NSEG = 1
ESEG = E // NSEG
PER_W = ESEG // NW
C = 128
NFULL = PER_W // C
TAIL = PER_W - NFULL * C
N_ACC = 10240
ROWS_PER_SUB = N_ACC // NS

_sc_mesh = plsc.VectorSubcoreMesh(core_axis_name="c", subcore_axis_name="s")


def _worker_id():
    return lax.axis_index("s") * NC + lax.axis_index("c")


@functools.lru_cache(maxsize=None)
def _make_gather(seg):
    seg_off = seg * ESEG

    @functools.partial(
        pl.kernel,
        out_type=(
            jax.ShapeDtypeStruct((ESEG, D), jnp.float32),
            jax.ShapeDtypeStruct((ESEG, D), jnp.float32),
        ),
        mesh=_sc_mesh,
        scratch_types=(
            pltpu.VMEM((3, C), jnp.int32),
            pltpu.VMEM((3, C), jnp.int32),
            pltpu.VMEM((3, C, D), jnp.float32),
            pltpu.VMEM((3, C, D), jnp.float32),
            pltpu.SemaphoreType.DMA,
            pltpu.SemaphoreType.DMA,
            pltpu.SemaphoreType.DMA,
            pltpu.SemaphoreType.DMA,
            pltpu.SemaphoreType.DMA,
            pltpu.SemaphoreType.DMA,
            pltpu.SemaphoreType.DMA,
            pltpu.SemaphoreType.DMA,
            pltpu.SemaphoreType.DMA,
            pltpu.VMEM((TAIL,), jnp.int32),
            pltpu.VMEM((TAIL,), jnp.int32),
            pltpu.VMEM((TAIL, D), jnp.float32),
            pltpu.VMEM((TAIL, D), jnp.float32),
        ),
    )
    def _gather(x_hbm, src_hbm, tgt_hbm, ni_hbm, nj_hbm,
                idx_s, idx_t, rows_s, rows_t,
                semI0, semI1, semI2, semG0, semG1, semG2, semW0, semW1, semW2,
                idx_s3, idx_t3, rows_s3, rows_t3):
        semI = (semI0, semI1, semI2)
        semG = (semG0, semG1, semG2)
        semW = (semW0, semW1, semW2)
        wid = _worker_id()
        lbase_w = wid * PER_W
        gbase_w = seg_off + lbase_w

        def fire_idx(j, b):
            gb = gbase_w + j * C
            pltpu.async_copy(src_hbm.at[pl.ds(gb, C)], idx_s.at[b], semI[b])
            pltpu.async_copy(tgt_hbm.at[pl.ds(gb, C)], idx_t.at[b], semI[b])

        def fire_gather(j, b):
            gb = gbase_w + j * C
            pltpu.make_async_copy(src_hbm.at[pl.ds(gb, C)], idx_s.at[b],
                                  semI[b]).wait()
            pltpu.make_async_copy(tgt_hbm.at[pl.ds(gb, C)], idx_t.at[b],
                                  semI[b]).wait()
            pltpu.async_copy(x_hbm.at[idx_s.at[b]], rows_s.at[b], semG[b])
            pltpu.async_copy(x_hbm.at[idx_t.at[b]], rows_t.at[b], semG[b])

        def fire_write(j, b):
            lb = lbase_w + j * C
            pltpu.make_async_copy(x_hbm.at[idx_s.at[b]], rows_s.at[b],
                                  semG[b]).wait()
            pltpu.make_async_copy(x_hbm.at[idx_t.at[b]], rows_t.at[b],
                                  semG[b]).wait()
            pltpu.async_copy(rows_s.at[b], ni_hbm.at[pl.ds(lb, C)], semW[b])
            pltpu.async_copy(rows_t.at[b], nj_hbm.at[pl.ds(lb, C)], semW[b])

        def wait_write(j, b):
            lb = lbase_w + j * C
            pltpu.make_async_copy(rows_s.at[b], ni_hbm.at[pl.ds(lb, C)],
                                  semW[b]).wait()
            pltpu.make_async_copy(rows_t.at[b], nj_hbm.at[pl.ds(lb, C)],
                                  semW[b]).wait()

        fire_idx(0, 0)
        fire_idx(1, 1)
        fire_gather(0, 0)

        def g_loop(g, _):
            for t in range(3):
                j = 3 * g + t
                bA = (t + 2) % 3

                if t == 0:
                    @pl.when(g > 0)
                    def _():
                        wait_write(j - 1, bA)
                    fire_idx(j + 2, bA)
                else:
                    wait_write(j - 1, bA)

                    @pl.when(g < (NFULL // 3) - 1)
                    def _():
                        fire_idx(j + 2, bA)

                if t < 2:
                    fire_gather(j + 1, (t + 1) % 3)
                else:
                    @pl.when(g < (NFULL // 3) - 1)
                    def _():
                        fire_gather(j + 1, (t + 1) % 3)

                fire_write(j, t)
            return 0

        lax.fori_loop(0, NFULL // 3, g_loop, 0)
        wait_write(NFULL - 1, (NFULL - 1) % 3)

        gb = gbase_w + NFULL * C
        lb = lbase_w + NFULL * C
        pltpu.sync_copy(src_hbm.at[pl.ds(gb, TAIL)], idx_s3)
        pltpu.sync_copy(tgt_hbm.at[pl.ds(gb, TAIL)], idx_t3)
        a = pltpu.async_copy(x_hbm.at[idx_s3], rows_s3, semG0)
        b = pltpu.async_copy(x_hbm.at[idx_t3], rows_t3, semG1)
        a.wait()
        b.wait()
        pltpu.sync_copy(rows_s3, ni_hbm.at[pl.ds(lb, TAIL)])
        pltpu.sync_copy(rows_t3, nj_hbm.at[pl.ds(lb, TAIL)])

    return _gather


@functools.partial(
    pl.kernel,
    out_type=jax.ShapeDtypeStruct((NC, N_ACC, D), jnp.float32),
    mesh=_sc_mesh,
    scratch_types=(
        pltpu.VMEM_SHARED((N_ACC, D), jnp.float32),
        pltpu.VMEM((2, C), jnp.int32),
        pltpu.VMEM((2, C, D), jnp.float32),
        pltpu.SemaphoreType.DMA,
        pltpu.SemaphoreType.DMA,
        pltpu.VMEM((TAIL,), jnp.int32),
        pltpu.VMEM((TAIL, D), jnp.float32),
    ),
)
def _scatter(z0, src_hbm, zero_hbm, part_hbm,
             acc, idx_v, rows_v, sem0, sem1, idx_v3, rows_v3):
    cid = lax.axis_index("c")
    sid = lax.axis_index("s")
    wid = _worker_id()
    zsegs = (z0,)

    pltpu.sync_copy(zero_hbm.at[pl.ds(sid * ROWS_PER_SUB, ROWS_PER_SUB)],
                    acc.at[pl.ds(sid * ROWS_PER_SUB, ROWS_PER_SUB)])
    plsc.subcore_barrier()

    for seg in range(NSEG):
        z_hbm = zsegs[seg]
        lbase_w = wid * PER_W
        gbase_w = seg * ESEG + lbase_w

        def fire(j, b, sem):
            pltpu.async_copy(src_hbm.at[pl.ds(gbase_w + j * C, C)],
                             idx_v.at[b], sem)
            pltpu.async_copy(z_hbm.at[pl.ds(lbase_w + j * C, C)],
                             rows_v.at[b], sem)

        def drain_add(j, b, sem):
            pltpu.make_async_copy(src_hbm.at[pl.ds(gbase_w + j * C, C)],
                                  idx_v.at[b], sem).wait()
            pltpu.make_async_copy(z_hbm.at[pl.ds(lbase_w + j * C, C)],
                                  rows_v.at[b], sem).wait()
            pltpu.sync_copy(rows_v.at[b], acc.at[idx_v.at[b]], add=True)

        fire(0, 0, sem0)

        def g_loop(g, _):
            fire(2 * g + 1, 1, sem1)
            drain_add(2 * g, 0, sem0)

            @pl.when(2 * g + 2 < NFULL)
            def _():
                fire(2 * g + 2, 0, sem0)

            drain_add(2 * g + 1, 1, sem1)
            return 0

        lax.fori_loop(0, NFULL // 2, g_loop, 0)

        if NFULL % 2 == 1:
            drain_add(NFULL - 1, 0, sem0)

        pltpu.sync_copy(src_hbm.at[pl.ds(gbase_w + NFULL * C, TAIL)], idx_v3)
        pltpu.sync_copy(z_hbm.at[pl.ds(lbase_w + NFULL * C, TAIL)], rows_v3)
        pltpu.sync_copy(rows_v3, acc.at[idx_v3], add=True)

    plsc.subcore_barrier()
    pltpu.sync_copy(acc.at[pl.ds(sid * ROWS_PER_SUB, ROWS_PER_SUB)],
                    part_hbm.at[cid].at[pl.ds(sid * ROWS_PER_SUB, ROWS_PER_SUB)])


BE = 4000
SEG_BLK = ESEG // BE


def _edge_mlp_body(inv_ref, icut_ref, cs_ref, pw_ref, ni_ref, nj_ref,
                   w1_ref, w2_ref, w2gh_ref, wgm_ref, z_ref):
    ni = ni_ref[...]
    nj = nj_ref[...]
    inv = inv_ref[...]
    delta = (ni - nj) * inv
    fe = jnp.concatenate([ni, nj, delta], axis=1).astype(jnp.bfloat16)
    gm = jnp.dot(fe, wgm_ref[...], preferred_element_type=jnp.float32)
    g = 1.0 / (1.0 + jnp.exp(-gm[:, :D]))
    m = gm[:, D:]
    m = jnp.where(m > 0, m, jnp.exp(jnp.minimum(m, 0.0)) - 1.0)
    pw = pw_ref[...]
    gate = jnp.dot(pw, w2gh_ref[...], preferred_element_type=jnp.float32)
    gate = 1.0 / (1.0 + jnp.exp(-gate))
    z2 = jnp.dot(pw * gate, w2_ref[...], preferred_element_type=jnp.float32)
    z1 = jnp.dot(cs_ref[...], w1_ref[...], preferred_element_type=jnp.float32)
    mask = (inv > icut_ref[0]).astype(jnp.float32)
    z_ref[...] = g * m * (z1 + z2) * mask


@functools.lru_cache(maxsize=None)
def _make_edge_mlp(seg):
    off = seg * SEG_BLK
    full = lambda shape: pl.BlockSpec(shape, lambda i: (0,) * len(shape))
    gmap = lambda i: (off + i, 0)
    lmap = lambda i: (i, 0)

    def run(inv2, icut, cs, pw, ni, nj, w1, w2, w2g, wgm):
        return pl.pallas_call(
            _edge_mlp_body,
            grid=(SEG_BLK,),
            in_specs=[
                pl.BlockSpec((BE, 1), gmap),
                pl.BlockSpec(memory_space=pltpu.SMEM),
                pl.BlockSpec((BE, K), gmap),
                pl.BlockSpec((BE, K), gmap),
                pl.BlockSpec((BE, D), lmap),
                pl.BlockSpec((BE, D), lmap),
                full((K, D)),
                full((K, D)),
                full((K, K)),
                full((INF, 2 * D)),
            ],
            out_specs=pl.BlockSpec((BE, D), lmap),
            out_shape=jax.ShapeDtypeStruct((ESEG, D), jnp.float32),
        )(inv2, icut, cs, pw, ni, nj, w1, w2, w2g, wgm)

    return run


BN = 1000


def _combine_body(x_ref, p_ref, o_ref):
    o_ref[...] = x_ref[...] + p_ref[0] + p_ref[1]


def _combine(x, parts):
    return pl.pallas_call(
        _combine_body,
        grid=(N // BN,),
        in_specs=[
            pl.BlockSpec((BN, D), lambda i: (i, 0)),
            pl.BlockSpec((NC, BN, D), lambda i: (0, i, 0)),
        ],
        out_specs=pl.BlockSpec((BN, D), lambda i: (i, 0)),
        out_shape=jax.ShapeDtypeStruct((N, D), jnp.float32),
    )(x, parts)


def kernel(input, nodes, edge_sources, edge_targets, rij, combine_sets,
           plane_wave, cutoff, W1, W2, W2g, Wg, Wm):
    inv2 = (1.0 / rij)[:, None]
    icut = 1.0 / cutoff
    w1 = W1
    w2 = W2
    w2gh = W2g
    wgm = jnp.concatenate([Wg, Wm], axis=1).astype(jnp.bfloat16)
    zs = []
    for seg in range(NSEG):
        ni, nj = _make_gather(seg)(input, edge_sources, edge_targets)
        zs.append(_make_edge_mlp(seg)(inv2, icut, combine_sets,
                                      plane_wave, ni, nj,
                                      w1, w2, w2gh, wgm))
    zero = jnp.zeros((N_ACC, D), jnp.float32)
    parts = _scatter(*zs, edge_sources, zero)
    return _combine(input, parts)

# --- scband reference (transcript-rebuilt; emitter-appended) ---
"""Pipeline reference for scband-gated-graph-convolution-15272903704941 (READ-ONLY COPY).

The authoritative reference and input builder live on the scoring server;
editing this copy changes nothing except your own understanding.
"""

import jax, jax.numpy as jnp
import numpy as np

N = 10000
E = 320000
D = 128
K1 = 64
K2 = 64
OUT = 128
INF = 3 * D


def setup_inputs(seed: int = 0) -> dict:
    key = jax.random.key(seed)
    ks = jax.random.split(key, 12)
    inp = {}
    inp["input"] = jax.random.normal(ks[0], (N, D), dtype=jnp.float32)
    inp["nodes"] = jnp.arange(N, dtype=jnp.int32)
    inp["edge_sources"] = jax.random.randint(ks[1], (E,), 0, N, dtype=jnp.int32)
    inp["edge_targets"] = jax.random.randint(ks[2], (E,), 0, N, dtype=jnp.int32)
    # rij is a distance used as a divisor; keep it in [0.1, 1.1) to avoid blowup
    inp["rij"] = jax.random.uniform(ks[3], (E,), dtype=jnp.float32, minval=0.1, maxval=1.1)
    inp["combine_sets"] = jax.random.normal(ks[4], (E, K1), dtype=jnp.float32)
    inp["plane_wave"] = jax.random.normal(ks[5], (E, K2), dtype=jnp.float32)
    inp["cutoff"] = jnp.ones((1,), dtype=jnp.float32)
    # learned parameters (Linear(in, out, bias=False) -> stored as [in, out] for x @ W)
    inp["W1"] = jax.random.normal(ks[6], (K1, OUT), dtype=jnp.float32) * 0.05   # linear1_vector
    inp["W2"] = jax.random.normal(ks[7], (K2, OUT), dtype=jnp.float32) * 0.05   # linear2_vector
    inp["W2g"] = jax.random.normal(ks[8], (K2, K2), dtype=jnp.float32) * 0.05   # linear2_vector_gate
    inp["Wg"] = jax.random.normal(ks[9], (INF, OUT), dtype=jnp.float32) * 0.05  # linear_gate
    inp["Wm"] = jax.random.normal(ks[10], (INF, OUT), dtype=jnp.float32) * 0.05 # linear_MLP
    return inp


def reference(input, nodes, edge_sources, edge_targets, rij, combine_sets, plane_wave, cutoff, W1, W2, W2g, Wg, Wm):
    ni = jnp.take(input, edge_sources, axis=0)
    nj = jnp.take(input, edge_targets, axis=0)
    r = rij[:, None]
    mask = (r < cutoff).astype(input.dtype)
    delta = (ni - nj) / r
    final_fe = jnp.concatenate([ni, nj, delta], axis=1)
    e_gate = jax.nn.sigmoid(final_fe @ Wg)            # activation_gate(linear_gate(.))
    e_mlp = jax.nn.elu(final_fe @ Wm)                 # activation_MLP(linear_MLP(.))
    z1 = combine_sets @ W1                            # linear1_vector
    gate = jax.nn.sigmoid(plane_wave @ W2g)           # activation2_vector_gate(linear2_vector_gate(.))
    z2 = (plane_wave * gate) @ W2                     # linear2_vector
    z = e_gate * e_mlp * (z1 + z2) * mask
    output = input.at[edge_sources].add(z)            # output = input.clone(); output.index_add_(0, edge_sources, z)
    return output

if __name__ == "__main__":
    import jax
    _d = setup_inputs()
    print(jax.jit(kernel)(*tuple(_d.values())))

</pallas_src>

<mosaic_0001>
#map = affine_map<(d0, d1) -> (0, 0)>
#map1 = affine_map<(d0, d1) -> (0)>
module attributes {stable_mosaic.version = 14 : i64} {
  func.func @_gather(%arg0: i32, %arg1: i32, %arg2: memref<10000x128xf32, #tpu.memory_space<hbm>>, %arg3: memref<320000xi32, #tpu.memory_space<hbm>>, %arg4: memref<320000xi32, #tpu.memory_space<hbm>>, %arg5: memref<320000x128xf32, #tpu.memory_space<hbm>>, %arg6: memref<320000x128xf32, #tpu.memory_space<hbm>>, %arg7: memref<3x128xi32, #tpu.memory_space<vmem>>, %arg8: memref<3x128xi32, #tpu.memory_space<vmem>>, %arg9: memref<3x128x128xf32, #tpu.memory_space<vmem>>, %arg10: memref<3x128x128xf32, #tpu.memory_space<vmem>>, %arg11: memref<!tpu.dma_semaphore, #tpu.memory_space<semaphore_mem>>, %arg12: memref<!tpu.dma_semaphore, #tpu.memory_space<semaphore_mem>>, %arg13: memref<!tpu.dma_semaphore, #tpu.memory_space<semaphore_mem>>, %arg14: memref<!tpu.dma_semaphore, #tpu.memory_space<semaphore_mem>>, %arg15: memref<!tpu.dma_semaphore, #tpu.memory_space<semaphore_mem>>, %arg16: memref<!tpu.dma_semaphore, #tpu.memory_space<semaphore_mem>>, %arg17: memref<!tpu.dma_semaphore, #tpu.memory_space<semaphore_mem>>, %arg18: memref<!tpu.dma_semaphore, #tpu.memory_space<semaphore_mem>>, %arg19: memref<!tpu.dma_semaphore, #tpu.memory_space<semaphore_mem>>, %arg20: memref<16xi32, #tpu.memory_space<vmem>>, %arg21: memref<16xi32, #tpu.memory_space<vmem>>, %arg22: memref<16x128xf32, #tpu.memory_space<vmem>>, %arg23: memref<16x128xf32, #tpu.memory_space<vmem>>) attributes {dimension_semantics = [#tpu.dimension_semantics<core_parallel>, #tpu.dimension_semantics<subcore_parallel>], iteration_bounds = array<i64: 2, 16>, scalar_prefetch = 0 : i64, scratch_operands = 17 : i64, tpu.core_type = #tpu.core_type<sc_vector_subcore>, window_params = [{transform_indices = #map}, {transform_indices = #map1}, {transform_indices = #map1}, {transform_indices = #map}, {transform_indices = #map}]} {
    %mul3A = arith.constant 2 : i32
    %mul3A_0 = arith.muli %arg1, %mul3A : i32
    %add3A = arith.addi %mul3A_0, %arg0 : i32
    %mul3A_1 = arith.constant 10000 : i32
    %mul3A_2 = arith.muli %add3A, %mul3A_1 : i32
    %add3A_3 = arith.constant 0 : i32
    %add3A_4 = arith.addi %add3A_3, %mul3A_2 : i32
    %add3A_5 = arith.constant 0 : i32
    %add3A_6 = arith.addi %add3A_4, %add3A_5 : i32
    %dma_start3A = arith.constant 0 : i32
    %dma_start3A_7 = arith.constant 0 : i32
    %dma_start3A_8 = tpu.memref_slice %arg7[%dma_start3A, %dma_start3A_7] : memref<3x128xi32, #tpu.memory_space<vmem>> -> memref<1x128xi32, #tpu.memory_space<vmem>>
    %dma_start3A_9 = tpu.memref_squeeze %dma_start3A_8 : memref<1x128xi32, #tpu.memory_space<vmem>> -> memref<128xi32, #tpu.memory_space<vmem>>
    %dma_start3A_10 = tpu.memref_slice %arg3[%add3A_6] : memref<320000xi32, #tpu.memory_space<hbm>> -> memref<128xi32, #tpu.memory_space<hbm>>
    %dma_start3A_11 = arith.constant 0 : i32
    %dma_start3A_12 = tpu.memref_slice %arg7[%dma_start3A, %dma_start3A_11] : memref<3x128xi32, #tpu.memory_space<vmem>> -> memref<1x128xi32, #tpu.memory_space<vmem>>
    %dma_start3A_13 = tpu.memref_squeeze %dma_start3A_12 : memref<1x128xi32, #tpu.memory_space<vmem>> -> memref<128xi32, #tpu.memory_space<vmem>>
    %dma_start3A_14 = tpu.memref_slice %arg3[%add3A_6] : memref<320000xi32, #tpu.memory_space<hbm>> -> memref<128xi32, #tpu.memory_space<hbm>>
    tpu.enqueue_dma source(%dma_start3A_14 : memref<128xi32, #tpu.memory_space<hbm>>) target(%dma_start3A_13 : memref<128xi32, #tpu.memory_space<vmem>>) target_semaphore(%arg11 : memref<!tpu.dma_semaphore, #tpu.memory_space<semaphore_mem>>)
    %dma_start3A_15 = arith.constant 0 : i32
    %dma_start3A_16 = arith.constant 0 : i32
    %dma_start3A_17 = tpu.memref_slice %arg8[%dma_start3A_15, %dma_start3A_16] : memref<3x128xi32, #tpu.memory_space<vmem>> -> memref<1x128xi32, #tpu.memory_space<vmem>>
    %dma_start3A_18 = tpu.memref_squeeze %dma_start3A_17 : memref<1x128xi32, #tpu.memory_space<vmem>> -> memref<128xi32, #tpu.memory_space<vmem>>
    %dma_start3A_19 = tpu.memref_slice %arg4[%add3A_6] : memref<320000xi32, #tpu.memory_space<hbm>> -> memref<128xi32, #tpu.memory_space<hbm>>
    %dma_start3A_20 = arith.constant 0 : i32
    %dma_start3A_21 = tpu.memref_slice %arg8[%dma_start3A_15, %dma_start3A_20] : memref<3x128xi32, #tpu.memory_space<vmem>> -> memref<1x128xi32, #tpu.memory_space<vmem>>
    %dma_start3A_22 = tpu.memref_squeeze %dma_start3A_21 : memref<1x128xi32, #tpu.memory_space<vmem>> -> memref<128xi32, #tpu.memory_space<vmem>>
    %dma_start3A_23 = tpu.memref_slice %arg4[%add3A_6] : memref<320000xi32, #tpu.memory_space<hbm>> -> memref<128xi32, #tpu.memory_space<hbm>>
    tpu.enqueue_dma source(%dma_start3A_23 : memref<128xi32, #tpu.memory_space<hbm>>) target(%dma_start3A_22 : memref<128xi32, #tpu.memory_space<vmem>>) target_semaphore(%arg11 : memref<!tpu.dma_semaphore, #tpu.memory_space<semaphore_mem>>)
    %add3A_24 = arith.constant 128 : i32
    %add3A_25 = arith.addi %add3A_4, %add3A_24 : i32
    %dma_start3A_26 = arith.constant 1 : i32
    %dma_start3A_27 = arith.constant 0 : i32
    %dma_start3A_28 = tpu.memref_slice %arg7[%dma_start3A_26, %dma_start3A_27] : memref<3x128xi32, #tpu.memory_space<vmem>> -> memref<1x128xi32, #tpu.memory_space<vmem>>
    %dma_start3A_29 = tpu.memref_squeeze %dma_start3A_28 : memref<1x128xi32, #tpu.memory_space<vmem>> -> memref<128xi32, #tpu.memory_space<vmem>>
    %dma_start3A_30 = tpu.memref_slice %arg3[%add3A_25] : memref<320000xi32, #tpu.memory_space<hbm>> -> memref<128xi32, #tpu.memory_space<hbm>>
    %dma_start3A_31 = arith.constant 0 : i32
    %dma_start3A_32 = tpu.memref_slice %arg7[%dma_start3A_26, %dma_start3A_31] : memref<3x128xi32, #tpu.memory_space<vmem>> -> memref<1x128xi32, #tpu.memory_space<vmem>>
    %dma_start3A_33 = tpu.memref_squeeze %dma_start3A_32 : memref<1x128xi32, #tpu.memory_space<vmem>> -> memref<128xi32, #tpu.memory_space<vmem>>
    %dma_start3A_34 = tpu.memref_slice %arg3[%add3A_25] : memref<320000xi32, #tpu.memory_space<hbm>> -> memref<128xi32, #tpu.memory_space<hbm>>
    tpu.enqueue_dma source(%dma_start3A_34 : memref<128xi32, #tpu.memory_space<hbm>>) target(%dma_start3A_33 : memref<128xi32, #tpu.memory_space<vmem>>) target_semaphore(%arg12 : memref<!tpu.dma_semaphore, #tpu.memory_space<semaphore_mem>>)
    %dma_start3A_35 = arith.constant 1 : i32
    %dma_start3A_36 = arith.constant 0 : i32
    %dma_start3A_37 = tpu.memref_slice %arg8[%dma_start3A_35, %dma_start3A_36] : memref<3x128xi32, #tpu.memory_space<vmem>> -> memref<1x128xi32, #tpu.memory_space<vmem>>
    %dma_start3A_38 = tpu.memref_squeeze %dma_start3A_37 : memref<1x128xi32, #tpu.memory_space<vmem>> -> memref<128xi32, #tpu.memory_space<vmem>>
    %dma_start3A_39 = tpu.memref_slice %arg4[%add3A_25] : memref<320000xi32, #tpu.memory_space<hbm>> -> memref<128xi32, #tpu.memory_space<hbm>>
    %dma_start3A_40 = arith.constant 0 : i32
    %dma_start3A_41 = tpu.memref_slice %arg8[%dma_start3A_35, %dma_start3A_40] : memref<3x128xi32, #tpu.memory_space<vmem>> -> memref<1x128xi32, #tpu.memory_space<vmem>>
    %dma_start3A_42 = tpu.memref_squeeze %dma_start3A_41 : memref<1x128xi32, #tpu.memory_space<vmem>> -> memref<128xi32, #tpu.memory_space<vmem>>
    %dma_start3A_43 = tpu.memref_slice %arg4[%add3A_25] : memref<320000xi32, #tpu.memory_space<hbm>> -> memref<128xi32, #tpu.memory_space<hbm>>
    tpu.enqueue_dma source(%dma_start3A_43 : memref<128xi32, #tpu.memory_space<hbm>>) target(%dma_start3A_42 : memref<128xi32, #tpu.memory_space<vmem>>) target_semaphore(%arg12 : memref<!tpu.dma_semaphore, #tpu.memory_space<semaphore_mem>>)
    %add3A_44 = arith.constant 0 : i32
    %add3A_45 = arith.addi %add3A_4, %add3A_44 : i32
    %dma_wait3A = arith.constant 0 : i32
    %dma_wait3A_46 = arith.constant 0 : i32
    %dma_wait3A_47 = tpu.memref_slice %arg7[%dma_wait3A, %dma_wait3A_46] : memref<3x128xi32, #tpu.memory_space<vmem>> -> memref<1x128xi32, #tpu.memory_space<vmem>>
    %dma_wait3A_48 = tpu.memref_squeeze %dma_wait3A_47 : memref<1x128xi32, #tpu.memory_space<vmem>> -> memref<128xi32, #tpu.memory_space<vmem>>
    %dma_wait3A_49 = tpu.memref_slice %arg3[%add3A_45] : memref<320000xi32, #tpu.memory_space<hbm>> -> memref<128xi32, #tpu.memory_space<hbm>>
    %dma_wait3A_50 = arith.constant 0 : i32
    %dma_wait3A_51 = tpu.memref_slice %arg7[%dma_wait3A, %dma_wait3A_50] : memref<3x128xi32, #tpu.memory_space<vmem>> -> memref<1x128xi32, #tpu.memory_space<vmem>>
    %dma_wait3A_52 = tpu.memref_squeeze %dma_wait3A_51 : memref<1x128xi32, #tpu.memory_space<vmem>> -> memref<128xi32, #tpu.memory_space<vmem>>
    %dma_wait3A_53 = tpu.memref_slice %arg3[%add3A_45] : memref<320000xi32, #tpu.memory_space<hbm>> -> memref<128xi32, #tpu.memory_space<hbm>>
    tpu.wait_dma2 semaphore(%arg11 : memref<!tpu.dma_semaphore, #tpu.memory_space<semaphore_mem>>) src(%dma_wait3A_53 : memref<128xi32, #tpu.memory_space<hbm>>) dst(%dma_wait3A_52 : memref<128xi32, #tpu.memory_space<vmem>>)
    %dma_wait3A_54 = arith.constant 0 : i32
    %dma_wait3A_55 = arith.constant 0 : i32
    %dma_wait3A_56 = tpu.memref_slice %arg8[%dma_wait3A_54, %dma_wait3A_55] : memref<3x128xi32, #tpu.memory_space<vmem>> -> memref<1x128xi32, #tpu.memory_space<vmem>>
    %dma_wait3A_57 = tpu.memref_squeeze %dma_wait3A_56 : memref<1x128xi32, #tpu.memory_space<vmem>> -> memref<128xi32, #tpu.memory_space<vmem>>
    %dma_wait3A_58 = tpu.memref_slice %arg4[%add3A_45] : memref<320000xi32, #tpu.memory_space<hbm>> -> memref<128xi32, #tpu.memory_space<hbm>>
    %dma_wait3A_59 = arith.constant 0 : i32
    %dma_wait3A_60 = tpu.memref_slice %arg8[%dma_wait3A_54, %dma_wait3A_59] : memref<3x128xi32, #tpu.memory_space<vmem>> -> memref<1x128xi32, #tpu.memory_space<vmem>>
    %dma_wait3A_61 = tpu.memref_squeeze %dma_wait3A_60 : memref<1x128xi32, #tpu.memory_space<vmem>> -> memref<128xi32, #tpu.memory_space<vmem>>
    %dma_wait3A_62 = tpu.memref_slice %arg4[%add3A_45] : memref<320000xi32, #tpu.memory_space<hbm>> -> memref<128xi32, #tpu.memory_space<hbm>>
    tpu.wait_dma2 semaphore(%arg11 : memref<!tpu.dma_semaphore, #tpu.memory_space<semaphore_mem>>) src(%dma_wait3A_62 : memref<128xi32, #tpu.memory_space<hbm>>) dst(%dma_wait3A_61 : memref<128xi32, #tpu.memory_space<vmem>>)
    %dma_start3A_63 = arith.constant 0 : i32
    %dma_start3A_64 = arith.constant 0 : i32
    %dma_start3A_65 = arith.constant 0 : i32
    %dma_start3A_66 = arith.constant 0 : i32
    %dma_start3A_67 = tpu.memref_slice %arg9[%dma_start3A_64, %dma_start3A_65, %dma_start3A_66] : memref<3x128x128xf32, #tpu.memory_space<vmem>> -> memref<1x128x128xf32, #tpu.memory_space<vmem>>
    %dma_start3A_68 = tpu.memref_squeeze %dma_start3A_67 : memref<1x128x128xf32, #tpu.memory_space<vmem>> -> memref<128x128xf32, #tpu.memory_space<vmem>>
    %dma_start3A_69 = arith.constant 0 : i32
    %dma_start3A_70 = tpu.memref_slice %arg7[%dma_start3A_63, %dma_start3A_69] : memref<3x128xi32, #tpu.memory_space<vmem>> -> memref<1x128xi32, #tpu.memory_space<vmem>>
    %dma_start3A_71 = tpu.memref_squeeze %dma_start3A_70 : memref<1x128xi32, #tpu.memory_space<vmem>> -> memref<128xi32, #tpu.memory_space<vmem>>
    %dma_start3A_72 = arith.constant 0 : i32
    %dma_start3A_73 = arith.constant 0 : i32
    %dma_start3A_74 = tpu.memref_slice %arg2[%dma_start3A_72, %dma_start3A_73] : memref<10000x128xf32, #tpu.memory_space<hbm>> -> memref<10000x128xf32, #tpu.memory_space<hbm>>
    tpu.enqueue_indirect_dma source(%dma_start3A_74 : memref<10000x128xf32, #tpu.memory_space<hbm>>) target(%dma_start3A_68 : memref<128x128xf32, #tpu.memory_space<vmem>>) offsets(%dma_start3A_71 : memref<128xi32, #tpu.memory_space<vmem>>) semaphore(%arg14 : memref<!tpu.dma_semaphore, #tpu.memory_space<semaphore_mem>>)
    %dma_start3A_75 = arith.constant 0 : i32
    %dma_start3A_76 = arith.constant 0 : i32
    %dma_start3A_77 = arith.constant 0 : i32
    %dma_start3A_78 = arith.constant 0 : i32
    %dma_start3A_79 = tpu.memref_slice %arg10[%dma_start3A_76, %dma_start3A_77, %dma_start3A_78] : memref<3x128x128xf32, #tpu.memory_space<vmem>> -> memref<1x128x128xf32, #tpu.memory_space<vmem>>
    %dma_start3A_80 = tpu.memref_squeeze %dma_start3A_79 : memref<1x128x128xf32, #tpu.memory_space<vmem>> -> memref<128x128xf32, #tpu.memory_space<vmem>>
    %dma_start3A_81 = arith.constant 0 : i32
    %dma_start3A_82 = tpu.memref_slice %arg8[%dma_start3A_75, %dma_start3A_81] : memref<3x128xi32, #tpu.memory_space<vmem>> -> memref<1x128xi32, #tpu.memory_space<vmem>>
    %dma_start3A_83 = tpu.memref_squeeze %dma_start3A_82 : memref<1x128xi32, #tpu.memory_space<vmem>> -> memref<128xi32, #tpu.memory_space<vmem>>
    %dma_start3A_84 = arith.constant 0 : i32
    %dma_start3A_85 = arith.constant 0 : i32
    %dma_start3A_86 = tpu.memref_slice %arg2[%dma_start3A_84, %dma_start3A_85] : memref<10000x128xf32, #tpu.memory_space<hbm>> -> memref<10000x128xf32, #tpu.memory_space<hbm>>
    tpu.enqueue_indirect_dma source(%dma_start3A_86 : memref<10000x128xf32, #tpu.memory_space<hbm>>) target(%dma_start3A_80 : memref<128x128xf32, #tpu.memory_space<vmem>>) offsets(%dma_start3A_83 : memref<128xi32, #tpu.memory_space<vmem>>) semaphore(%arg14 : memref<!tpu.dma_semaphore, #tpu.memory_space<semaphore_mem>>)
    %scan3A = arith.constant 0 : i32
    %scan3A_87 = arith.constant 0 : i32
    %scan3A_88 = arith.constant 26 : i32
    %scan3A_89 = arith.addi %scan3A_87, %scan3A_88 : i32
    %scan3A_90 = arith.constant 1 : i32
    %scan3A_91 = scf.for %scan3A_137 = %scan3A_87 to %scan3A_89 step %scan3A_90 iter_args(%scan3A_138 = %scan3A) -> (i32)  : i32 {
      %mul3A_139 = arith.constant 3 : i32
      %mul3A_140 = arith.muli %mul3A_139, %scan3A_137 : i32
      %add3A_141 = arith.constant 0 : i32
      %add3A_142 = arith.addi %mul3A_140, %add3A_141 : i32
      %gt3A = arith.constant 0 : i32
      %gt3A_143 = arith.cmpi sgt, %scan3A_137, %gt3A : i32
      %convert_element_type3A = arith.extui %gt3A_143 : i1 to i32
      %cond3A = arith.constant 0 : i32
      %cond3A_144 = arith.cmpi ne, %convert_element_type3A, %cond3A : i32
      scf.if %cond3A_144 {
        %sub3A_505 = arith.constant 1 : i32
        %sub3A_506 = arith.subi %add3A_142, %sub3A_505 : i32
        %mul3A_507 = arith.constant 128 : i32
        %mul3A_508 = arith.muli %sub3A_506, %mul3A_507 : i32
        %add3A_509 = arith.addi %mul3A_2, %mul3A_508 : i32
        %dma_wait3A_510 = arith.constant 2 : i32
        %dma_wait3A_511 = arith.constant 0 : i32
        %dma_wait3A_512 = arith.constant 0 : i32
        %dma_wait3A_513 = tpu.memref_slice %arg9[%dma_wait3A_510, %dma_wait3A_511, %dma_wait3A_512] : memref<3x128x128xf32, #tpu.memory_space<vmem>> -> memref<1x128x128xf32, #tpu.memory_space<vmem>>
        %dma_wait3A_514 = tpu.memref_squeeze %dma_wait3A_513 : memref<1x128x128xf32, #tpu.memory_space<vmem>> -> memref<128x128xf32, #tpu.memory_space<vmem>>
        %dma_wait3A_515 = arith.constant 0 : i32
        %dma_wait3A_516 = tpu.memref_slice %arg5[%add3A_509, %dma_wait3A_515] : memref<320000x128xf32, #tpu.memory_space<hbm>> -> memref<128x128xf32, #tpu.memory_space<hbm>>
        %dma_wait3A_517 = arith.constant 0 : i32
        %dma_wait3A_518 = tpu.memref_slice %arg5[%add3A_509, %dma_wait3A_517] : memref<320000x128xf32, #tpu.memory_space<hbm>> -> memref<128x128xf32, #tpu.memory_space<hbm>>
        %dma_wait3A_519 = arith.constant 0 : i32
        %dma_wait3A_520 = arith.constant 0 : i32
        %dma_wait3A_521 = tpu.memref_slice %arg9[%dma_wait3A_510, %dma_wait3A_519, %dma_wait3A_520] : memref<3x128x128xf32, #tpu.memory_space<vmem>> -> memref<1x128x128xf32, #tpu.memory_space<vmem>>
        %dma_wait3A_522 = tpu.memref_squeeze %dma_wait3A_521 : memref<1x128x128xf32, #tpu.memory_space<vmem>> -> memref<128x128xf32, #tpu.memory_space<vmem>>
        tpu.wait_dma2 semaphore(%arg19 : memref<!tpu.dma_semaphore, #tpu.memory_space<semaphore_mem>>) src(%dma_wait3A_522 : memref<128x128xf32, #tpu.memory_space<vmem>>) dst(%dma_wait3A_518 : memref<128x128xf32, #tpu.memory_space<hbm>>)
        %dma_wait3A_523 = arith.constant 2 : i32
        %dma_wait3A_524 = arith.constant 0 : i32
        %dma_wait3A_525 = arith.constant 0 : i32
        %dma_wait3A_526 = tpu.memref_slice %arg10[%dma_wait3A_523, %dma_wait3A_524, %dma_wait3A_525] : memref<3x128x128xf32, #tpu.memory_space<vmem>> -> memref<1x128x128xf32, #tpu.memory_space<vmem>>
        %dma_wait3A_527 = tpu.memref_squeeze %dma_wait3A_526 : memref<1x128x128xf32, #tpu.memory_space<vmem>> -> memref<128x128xf32, #tpu.memory_space<vmem>>
        %dma_wait3A_528 = arith.constant 0 : i32
        %dma_wait3A_529 = tpu.memref_slice %arg6[%add3A_509, %dma_wait3A_528] : memref<320000x128xf32, #tpu.memory_space<hbm>> -> memref<128x128xf32, #tpu.memory_space<hbm>>
        %dma_wait3A_530 = arith.constant 0 : i32
        %dma_wait3A_531 = tpu.memref_slice %arg6[%add3A_509, %dma_wait3A_530] : memref<320000x128xf32, #tpu.memory_space<hbm>> -> memref<128x128xf32, #tpu.memory_space<hbm>>
        %dma_wait3A_532 = arith.constant 0 : i32
        %dma_wait3A_533 = arith.constant 0 : i32
        %dma_wait3A_534 = tpu.memref_slice %arg10[%dma_wait3A_523, %dma_wait3A_532, %dma_wait3A_533] : memref<3x128x128xf32, #tpu.memory_space<vmem>> -> memref<1x128x128xf32, #tpu.memory_space<vmem>>
        %dma_wait3A_535 = tpu.memref_squeeze %dma_wait3A_534 : memref<1x128x128xf32, #tpu.memory_space<vmem>> -> memref<128x128xf32, #tpu.memory_space<vmem>>
        tpu.wait_dma2 semaphore(%arg19 : memref<!tpu.dma_semaphore, #tpu.memory_space<semaphore_mem>>) src(%dma_wait3A_535 : memref<128x128xf32, #tpu.memory_space<vmem>>) dst(%dma_wait3A_531 : memref<128x128xf32, #tpu.memory_space<hbm>>)
      } else {
      }
      %add3A_145 = arith.constant 2 : i32
      %add3A_146 = arith.addi %add3A_142, %add3A_145 : i32
      %mul3A_147 = arith.constant 128 : i32
      %mul3A_148 = arith.muli %add3A_146, %mul3A_147 : i32
      %add3A_149 = arith.addi %add3A_4, %mul3A_148 : i32
      %dma_start3A_150 = arith.constant 2 : i32
      %dma_start3A_151 = arith.constant 0 : i32
      %dma_start3A_152 = tpu.memref_slice %arg7[%dma_start3A_150, %dma_start3A_151] : memref<3x128xi32, #tpu.memory_space<vmem>> -> memref<1x128xi32, #tpu.memory_space<vmem>>
      %dma_start3A_153 = tpu.memref_squeeze %dma_start3A_152 : memref<1x128xi32, #tpu.memory_space<vmem>> -> memref<128xi32, #tpu.memory_space<vmem>>
      %dma_start3A_154 = tpu.memref_slice %arg3[%add3A_149] : memref<320000xi32, #tpu.memory_space<hbm>> -> memref<128xi32, #tpu.memory_space<hbm>>
      %dma_start3A_155 = arith.constant 0 : i32
      %dma_start3A_156 = tpu.memref_slice %arg7[%dma_start3A_150, %dma_start3A_155] : memref<3x128xi32, #tpu.memory_space<vmem>> -> memref<1x128xi32, #tpu.memory_space<vmem>>
      %dma_start3A_157 = tpu.memref_squeeze %dma_start3A_156 : memref<1x128xi32, #tpu.memory_space<vmem>> -> memref<128xi32, #tpu.memory_space<vmem>>
      %dma_start3A_158 = tpu.memref_slice %arg3[%add3A_149] : memref<320000xi32, #tpu.memory_space<hbm>> -> memref<128xi32, #tpu.memory_space<hbm>>
      tpu.enqueue_dma source(%dma_start3A_158 : memref<128xi32, #tpu.memory_space<hbm>>) target(%dma_start3A_157 : memref<128xi32, #tpu.memory_space<vmem>>) target_semaphore(%arg13 : memref<!tpu.dma_semaphore, #tpu.memory_space<semaphore_mem>>)
      %dma_start3A_159 = arith.constant 2 : i32
      %dma_start3A_160 = arith.constant 0 : i32
      %dma_start3A_161 = tpu.memref_slice %arg8[%dma_start3A_159, %dma_start3A_160] : memref<3x128xi32, #tpu.memory_space<vmem>> -> memref<1x128xi32, #tpu.memory_space<vmem>>
      %dma_start3A_162 = tpu.memref_squeeze %dma_start3A_161 : memref<1x128xi32, #tpu.memory_space<vmem>> -> memref<128xi32, #tpu.memory_space<vmem>>
      %dma_start3A_163 = tpu.memref_slice %arg4[%add3A_149] : memref<320000xi32, #tpu.memory_space<hbm>> -> memref<128xi32, #tpu.memory_space<hbm>>
      %dma_start3A_164 = arith.constant 0 : i32
      %dma_start3A_165 = tpu.memref_slice %arg8[%dma_start3A_159, %dma_start3A_164] : memref<3x128xi32, #tpu.memory_space<vmem>> -> memref<1x128xi32, #tpu.memory_space<vmem>>
      %dma_start3A_166 = tpu.memref_squeeze %dma_start3A_165 : memref<1x128xi32, #tpu.memory_space<vmem>> -> memref<128xi32, #tpu.memory_space<vmem>>
      %dma_start3A_167 = tpu.memref_slice %arg4[%add3A_149] : memref<320000xi32, #tpu.memory_space<hbm>> -> memref<128xi32, #tpu.memory_space<hbm>>
      tpu.enqueue_dma source(%dma_start3A_167 : memref<128xi32, #tpu.memory_space<hbm>>) target(%dma_start3A_166 : memref<128xi32, #tpu.memory_space<vmem>>) target_semaphore(%arg13 : memref<!tpu.dma_semaphore, #tpu.memory_space<semaphore_mem>>)
      %add3A_168 = arith.constant 1 : i32
      %add3A_169 = arith.addi %add3A_142, %add3A_168 : i32
      %mul3A_170 = arith.constant 128 : i32
      %mul3A_171 = arith.muli %add3A_169, %mul3A_170 : i32
      %add3A_172 = arith.addi %add3A_4, %mul3A_171 : i32
      %dma_wait3A_173 = arith.constant 1 : i32
      %dma_wait3A_174 = arith.constant 0 : i32
      %dma_wait3A_175 = tpu.memref_slice %arg7[%dma_wait3A_173, %dma_wait3A_174] : memref<3x128xi32, #tpu.memory_space<vmem>> -> memref<1x128xi32, #tpu.memory_space<vmem>>
      %dma_wait3A_176 = tpu.memref_squeeze %dma_wait3A_175 : memref<1x128xi32, #tpu.memory_space<vmem>> -> memref<128xi32, #tpu.memory_space<vmem>>
      %dma_wait3A_177 = tpu.memref_slice %arg3[%add3A_172] : memref<320000xi32, #tpu.memory_space<hbm>> -> memref<128xi32, #tpu.memory_space<hbm>>
      %dma_wait3A_178 = arith.constant 0 : i32
      %dma_wait3A_179 = tpu.memref_slice %arg7[%dma_wait3A_173, %dma_wait3A_178] : memref<3x128xi32, #tpu.memory_space<vmem>> -> memref<1x128xi32, #tpu.memory_space<vmem>>
      %dma_wait3A_180 = tpu.memref_squeeze %dma_wait3A_179 : memref<1x128xi32, #tpu.memory_space<vmem>> -> memref<128xi32, #tpu.memory_space<vmem>>
      %dma_wait3A_181 = tpu.memref_slice %arg3[%add3A_172] : memref<320000xi32, #tpu.memory_space<hbm>> -> memref<128xi32, #tpu.memory_space<hbm>>
      tpu.wait_dma2 semaphore(%arg12 : memref<!tpu.dma_semaphore, #tpu.memory_space<semaphore_mem>>) src(%dma_wait3A_181 : memref<128xi32, #tpu.memory_space<hbm>>) dst(%dma_wait3A_180 : memref<128xi32, #tpu.memory_space<vmem>>)
      %dma_wait3A_182 = arith.constant 1 : i32
      %dma_wait3A_183 = arith.constant 0 : i32
      %dma_wait3A_184 = tpu.memref_slice %arg8[%dma_wait3A_182, %dma_wait3A_183] : memref<3x128xi32, #tpu.memory_space<vmem>> -> memref<1x128xi32, #tpu.memory_space<vmem>>
      %dma_wait3A_185 = tpu.memref_squeeze %dma_wait3A_184 : memref<1x128xi32, #tpu.memory_space<vmem>> -> memref<128xi32, #tpu.memory_space<vmem>>
      %dma_wait3A_186 = tpu.memref_slice %arg4[%add3A_172] : memref<320000xi32, #tpu.memory_space<hbm>> -> memref<128xi32, #tpu.memory_space<hbm>>
      %dma_wait3A_187 = arith.constant 0 : i32
      %dma_wait3A_188 = tpu.memref_slice %arg8[%dma_wait3A_182, %dma_wait3A_187] : memref<3x128xi32, #tpu.memory_space<vmem>> -> memref<1x128xi32, #tpu.memory_space<vmem>>
      %dma_wait3A_189 = tpu.memref_squeeze %dma_wait3A_188 : memref<1x128xi32, #tpu.memory_space<vmem>> -> memref<128xi32, #tpu.memory_space<vmem>>
      %dma_wait3A_190 = tpu.memref_slice %arg4[%add3A_172] : memref<320000xi32, #tpu.memory_space<hbm>> -> memref<128xi32, #tpu.memory_space<hbm>>
      tpu.wait_dma2 semaphore(%arg12 : memref<!tpu.dma_semaphore, #tpu.memory_space<semaphore_mem>>) src(%dma_wait3A_190 : memref<128xi32, #tpu.memory_space<hbm>>) dst(%dma_wait3A_189 : memref<128xi32, #tpu.memory_space<vmem>>)
      %dma_start3A_191 = arith.constant 1 : i32
      %dma_start3A_192 = arith.constant 1 : i32
      %dma_start3A_193 = arith.constant 0 : i32
      %dma_start3A_194 = arith.constant 0 : i32
      %dma_start3A_195 = tpu.memref_slice %arg9[%dma_start3A_192, %dma_start3A_193, %dma_start3A_194] : memref<3x128x128xf32, #tpu.memory_space<vmem>> -> memref<1x128x128xf32, #tpu.memory_space<vmem>>
      %dma_start3A_196 = tpu.memref_squeeze %dma_start3A_195 : memref<1x128x128xf32, #tpu.memory_space<vmem>> -> memref<128x128xf32, #tpu.memory_space<vmem>>
      %dma_start3A_197 = arith.constant 0 : i32
      %dma_start3A_198 = tpu.memref_slice %arg7[%dma_start3A_191, %dma_start3A_197] : memref<3x128xi32, #tpu.memory_space<vmem>> -> memref<1x128xi32, #tpu.memory_space<vmem>>
      %dma_start3A_199 = tpu.memref_squeeze %dma_start3A_198 : memref<1x128xi32, #tpu.memory_space<vmem>> -> memref<128xi32, #tpu.memory_space<vmem>>
      %dma_start3A_200 = arith.constant 0 : i32
      %dma_start3A_201 = arith.constant 0 : i32
      %dma_start3A_202 = tpu.memref_slice %arg2[%dma_start3A_200, %dma_start3A_201] : memref<10000x128xf32, #tpu.memory_space<hbm>> -> memref<10000x128xf32, #tpu.memory_space<hbm>>
      tpu.enqueue_indirect_dma source(%dma_start3A_202 : memref<10000x128xf32, #tpu.memory_space<hbm>>) target(%dma_start3A_196 : memref<128x128xf32, #tpu.memory_space<vmem>>) offsets(%dma_start3A_199 : memref<128xi32, #tpu.memory_space<vmem>>) semaphore(%arg15 : memref<!tpu.dma_semaphore, #tpu.memory_space<semaphore_mem>>)
      %dma_start3A_203 = arith.constant 1 : i32
      %dma_start3A_204 = arith.constant 1 : i32
      %dma_start3A_205 = arith.constant 0 : i32
      %dma_start3A_206 = arith.constant 0 : i32
      %dma_start3A_207 = tpu.memref_slice %arg10[%dma_start3A_204, %dma_start3A_205, %dma_start3A_206] : memref<3x128x128xf32, #tpu.memory_space<vmem>> -> memref<1x128x128xf32, #tpu.memory_space<vmem>>
      %dma_start3A_208 = tpu.memref_squeeze %dma_start3A_207 : memref<1x128x128xf32, #tpu.memory_space<vmem>> -> memref<128x128xf32, #tpu.memory_space<vmem>>
      %dma_start3A_209 = arith.constant 0 : i32
      %dma_start3A_210 = tpu.memref_slice %arg8[%dma_start3A_203, %dma_start3A_209] : memref<3x128xi32, #tpu.memory_space<vmem>> -> memref<1x128xi32, #tpu.memory_space<vmem>>
      %dma_start3A_211 = tpu.memref_squeeze %dma_start3A_210 : memref<1x128xi32, #tpu.memory_space<vmem>> -> memref<128xi32, #tpu.memory_space<vmem>>
      %dma_start3A_212 = arith.constant 0 : i32
      %dma_start3A_213 = arith.constant 0 : i32
      %dma_start3A_214 = tpu.memref_slice %arg2[%dma_start3A_212, %dma_start3A_213] : memref<10000x128xf32, #tpu.memory_space<hbm>> -> memref<10000x128xf32, #tpu.memory_space<hbm>>
      tpu.enqueue_indirect_dma source(%dma_start3A_214 : memref<10000x128xf32, #tpu.memory_space<hbm>>) target(%dma_start3A_208 : memref<128x128xf32, #tpu.memory_space<vmem>>) offsets(%dma_start3A_211 : memref<128xi32, #tpu.memory_space<vmem>>) semaphore(%arg15 : memref<!tpu.dma_semaphore, #tpu.memory_space<semaphore_mem>>)
      %mul3A_215 = arith.constant 128 : i32
      %mul3A_216 = arith.muli %add3A_142, %mul3A_215 : i32
      %add3A_217 = arith.addi %mul3A_2, %mul3A_216 : i32
      %dma_wait3A_218 = arith.constant 0 : i32
      %dma_wait3A_219 = arith.constant 0 : i32
      %dma_wait3A_220 = arith.constant 0 : i32
      %dma_wait3A_221 = arith.constant 0 : i32
      %dma_wait3A_222 = tpu.memref_slice %arg9[%dma_wait3A_219, %dma_wait3A_220, %dma_wait3A_221] : memref<3x128x128xf32, #tpu.memory_space<vmem>> -> memref<1x128x128xf32, #tpu.memory_space<vmem>>
      %dma_wait3A_223 = tpu.memref_squeeze %dma_wait3A_222 : memref<1x128x128xf32, #tpu.memory_space<vmem>> -> memref<128x128xf32, #tpu.memory_space<vmem>>
      %dma_wait3A_224 = arith.constant 0 : i32
      %dma_wait3A_225 = tpu.memref_slice %arg7[%dma_wait3A_218, %dma_wait3A_224] : memref<3x128xi32, #tpu.memory_space<vmem>> -> memref<1x128xi32, #tpu.memory_space<vmem>>
      %dma_wait3A_226 = tpu.memref_squeeze %dma_wait3A_225 : memref<1x128xi32, #tpu.memory_space<vmem>> -> memref<128xi32, #tpu.memory_space<vmem>>
      %dma_wait3A_227 = arith.constant 0 : i32
      %dma_wait3A_228 = arith.constant 0 : i32
      %dma_wait3A_229 = tpu.memref_slice %arg2[%dma_wait3A_227, %dma_wait3A_228] : memref<10000x128xf32, #tpu.memory_space<hbm>> -> memref<10000x128xf32, #tpu.memory_space<hbm>>
      tpu.wait_indirect_dma semaphore(%arg14 : memref<!tpu.dma_semaphore, #tpu.memory_space<semaphore_mem>>) src(%dma_wait3A_229 : memref<10000x128xf32, #tpu.memory_space<hbm>>) dst(%dma_wait3A_223 : memref<128x128xf32, #tpu.memory_space<vmem>>)
      %dma_wait3A_230 = arith.constant 0 : i32
      %dma_wait3A_231 = arith.constant 0 : i32
      %dma_wait3A_232 = arith.constant 0 : i32
      %dma_wait3A_233 = arith.constant 0 : i32
      %dma_wait3A_234 = tpu.memref_slice %arg10[%dma_wait3A_231, %dma_wait3A_232, %dma_wait3A_233] : memref<3x128x128xf32, #tpu.memory_space<vmem>> -> memref<1x128x128xf32, #tpu.memory_space<vmem>>
      %dma_wait3A_235 = tpu.memref_squeeze %dma_wait3A_234 : memref<1x128x128xf32, #tpu.memory_space<vmem>> -> memref<128x128xf32, #tpu.memory_space<vmem>>
      %dma_wait3A_236 = arith.constant 0 : i32
      %dma_wait3A_237 = tpu.memref_slice %arg8[%dma_wait3A_230, %dma_wait3A_236] : memref<3x128xi32, #tpu.memory_space<vmem>> -> memref<1x128xi32, #tpu.memory_space<vmem>>
      %dma_wait3A_238 = tpu.memref_squeeze %dma_wait3A_237 : memref<1x128xi32, #tpu.memory_space<vmem>> -> memref<128xi32, #tpu.memory_space<vmem>>
      %dma_wait3A_239 = arith.constant 0 : i32
      %dma_wait3A_240 = arith.constant 0 : i32
      %dma_wait3A_241 = tpu.memref_slice %arg2[%dma_wait3A_239, %dma_wait3A_240] : memref<10000x128xf32, #tpu.memory_space<hbm>> -> memref<10000x128xf32, #tpu.memory_space<hbm>>
      tpu.wait_indirect_dma semaphore(%arg14 : memref<!tpu.dma_semaphore, #tpu.memory_space<semaphore_mem>>) src(%dma_wait3A_241 : memref<10000x128xf32, #tpu.memory_space<hbm>>) dst(%dma_wait3A_235 : memref<128x128xf32, #tpu.memory_space<vmem>>)
      %dma_start3A_242 = arith.constant 0 : i32
      %dma_start3A_243 = arith.constant 0 : i32
      %dma_start3A_244 = arith.constant 0 : i32
      %dma_start3A_245 = tpu.memref_slice %arg9[%dma_start3A_242, %dma_start3A_243, %dma_start3A_244] : memref<3x128x128xf32, #tpu.memory_space<vmem>> -> memref<1x128x128xf32, #tpu.memory_space<vmem>>
      %dma_start3A_246 = tpu.memref_squeeze %dma_start3A_245 : memref<1x128x128xf32, #tpu.memory_space<vmem>> -> memref<128x128xf32, #tpu.memory_space<vmem>>
      %dma_start3A_247 = arith.constant 0 : i32
      %dma_start3A_248 = tpu.memref_slice %arg5[%add3A_217, %dma_start3A_247] : memref<320000x128xf32, #tpu.memory_space<hbm>> -> memref<128x128xf32, #tpu.memory_space<hbm>>
      %dma_start3A_249 = arith.constant 0 : i32
      %dma_start3A_250 = tpu.memref_slice %arg5[%add3A_217, %dma_start3A_249] : memref<320000x128xf32, #tpu.memory_space<hbm>> -> memref<128x128xf32, #tpu.memory_space<hbm>>
      %dma_start3A_251 = arith.constant 0 : i32
      %dma_start3A_252 = arith.constant 0 : i32
      %dma_start3A_253 = tpu.memref_slice %arg9[%dma_start3A_242, %dma_start3A_251, %dma_start3A_252] : memref<3x128x128xf32, #tpu.memory_space<vmem>> -> memref<1x128x128xf32, #tpu.memory_space<vmem>>
      %dma_start3A_254 = tpu.memref_squeeze %dma_start3A_253 : memref<1x128x128xf32, #tpu.memory_space<vmem>> -> memref<128x128xf32, #tpu.memory_space<vmem>>
      tpu.enqueue_dma source(%dma_start3A_254 : memref<128x128xf32, #tpu.memory_space<vmem>>) target(%dma_start3A_250 : memref<128x128xf32, #tpu.memory_space<hbm>>) target_semaphore(%arg17 : memref<!tpu.dma_semaphore, #tpu.memory_space<semaphore_mem>>)
      %dma_start3A_255 = arith.constant 0 : i32
      %dma_start3A_256 = arith.constant 0 : i32
      %dma_start3A_257 = arith.constant 0 : i32
      %dma_start3A_258 = tpu.memref_slice %arg10[%dma_start3A_255, %dma_start3A_256, %dma_start3A_257] : memref<3x128x128xf32, #tpu.memory_space<vmem>> -> memref<1x128x128xf32, #tpu.memory_space<vmem>>
      %dma_start3A_259 = tpu.memref_squeeze %dma_start3A_258 : memref<1x128x128xf32, #tpu.memory_space<vmem>> -> memref<128x128xf32, #tpu.memory_space<vmem>>
      %dma_start3A_260 = arith.constant 0 : i32
      %dma_start3A_261 = tpu.memref_slice %arg6[%add3A_217, %dma_start3A_260] : memref<320000x128xf32, #tpu.memory_space<hbm>> -> memref<128x128xf32, #tpu.memory_space<hbm>>
      %dma_start3A_262 = arith.constant 0 : i32
      %dma_start3A_263 = tpu.memref_slice %arg6[%add3A_217, %dma_start3A_262] : memref<320000x128xf32, #tpu.memory_space<hbm>> -> memref<128x128xf32, #tpu.memory_space<hbm>>
      %dma_start3A_264 = arith.constant 0 : i32
      %dma_start3A_265 = arith.constant 0 : i32
      %dma_start3A_266 = tpu.memref_slice %arg10[%dma_start3A_255, %dma_start3A_264, %dma_start3A_265] : memref<3x128x128xf32, #tpu.memory_space<vmem>> -> memref<1x128x128xf32, #tpu.memory_space<vmem>>
      %dma_start3A_267 = tpu.memref_squeeze %dma_start3A_266 : memref<1x128x128xf32, #tpu.memory_space<vmem>> -> memref<128x128xf32, #tpu.memory_space<vmem>>
      tpu.enqueue_dma source(%dma_start3A_267 : memref<128x128xf32, #tpu.memory_space<vmem>>) target(%dma_start3A_263 : memref<128x128xf32, #tpu.memory_space<hbm>>) target_semaphore(%arg17 : memref<!tpu.dma_semaphore, #tpu.memory_space<semaphore_mem>>)
      %mul3A_268 = arith.constant 3 : i32
      %mul3A_269 = arith.muli %mul3A_268, %scan3A_137 : i32
      %add3A_270 = arith.constant 1 : i32
      %add3A_271 = arith.addi %mul3A_269, %add3A_270 : i32
      %sub3A = arith.constant 1 : i32
      %sub3A_272 = arith.subi %add3A_271, %sub3A : i32
      %mul3A_273 = arith.constant 128 : i32
      %mul3A_274 = arith.muli %sub3A_272, %mul3A_273 : i32
      %add3A_275 = arith.addi %mul3A_2, %mul3A_274 : i32
      %dma_wait3A_276 = arith.constant 0 : i32
      %dma_wait3A_277 = arith.constant 0 : i32
      %dma_wait3A_278 = arith.constant 0 : i32
      %dma_wait3A_279 = tpu.memref_slice %arg9[%dma_wait3A_276, %dma_wait3A_277, %dma_wait3A_278] : memref<3x128x128xf32, #tpu.memory_space<vmem>> -> memref<1x128x128xf32, #tpu.memory_space<vmem>>
      %dma_wait3A_280 = tpu.memref_squeeze %dma_wait3A_279 : memref<1x128x128xf32, #tpu.memory_space<vmem>> -> memref<128x128xf32, #tpu.memory_space<vmem>>
      %dma_wait3A_281 = arith.constant 0 : i32
      %dma_wait3A_282 = tpu.memref_slice %arg5[%add3A_275, %dma_wait3A_281] : memref<320000x128xf32, #tpu.memory_space<hbm>> -> memref<128x128xf32, #tpu.memory_space<hbm>>
      %dma_wait3A_283 = arith.constant 0 : i32
      %dma_wait3A_284 = tpu.memref_slice %arg5[%add3A_275, %dma_wait3A_283] : memref<320000x128xf32, #tpu.memory_space<hbm>> -> memref<128x128xf32, #tpu.memory_space<hbm>>
      %dma_wait3A_285 = arith.constant 0 : i32
      %dma_wait3A_286 = arith.constant 0 : i32
      %dma_wait3A_287 = tpu.memref_slice %arg9[%dma_wait3A_276, %dma_wait3A_285, %dma_wait3A_286] : memref<3x128x128xf32, #tpu.memory_space<vmem>> -> memref<1x128x128xf32, #tpu.memory_space<vmem>>
      %dma_wait3A_288 = tpu.memref_squeeze %dma_wait3A_287 : memref<1x128x128xf32, #tpu.memory_space<vmem>> -> memref<128x128xf32, #tpu.memory_space<vmem>>
      tpu.wait_dma2 semaphore(%arg17 : memref<!tpu.dma_semaphore, #tpu.memory_space<semaphore_mem>>) src(%dma_wait3A_288 : memref<128x128xf32, #tpu.memory_space<vmem>>) dst(%dma_wait3A_284 : memref<128x128xf32, #tpu.memory_space<hbm>>)
      %dma_wait3A_289 = arith.constant 0 : i32
      %dma_wait3A_290 = arith.constant 0 : i32
      %dma_wait3A_291 = arith.constant 0 : i32
      %dma_wait3A_292 = tpu.memref_slice %arg10[%dma_wait3A_289, %dma_wait3A_290, %dma_wait3A_291] : memref<3x128x128xf32, #tpu.memory_space<vmem>> -> memref<1x128x128xf32, #tpu.memory_space<vmem>>
      %dma_wait3A_293 = tpu.memref_squeeze %dma_wait3A_292 : memref<1x128x128xf32, #tpu.memory_space<vmem>> -> memref<128x128xf32, #tpu.memory_space<vmem>>
      %dma_wait3A_294 = arith.constant 0 : i32
      %dma_wait3A_295 = tpu.memref_slice %arg6[%add3A_275, %dma_wait3A_294] : memref<320000x128xf32, #tpu.memory_space<hbm>> -> memref<128x128xf32, #tpu.memory_space<hbm>>
      %dma_wait3A_296 = arith.constant 0 : i32
      %dma_wait3A_297 = tpu.memref_slice %arg6[%add3A_275, %dma_wait3A_296] : memref<320000x128xf32, #tpu.memory_space<hbm>> -> memref<128x128xf32, #tpu.memory_space<hbm>>
      %dma_wait3A_298 = arith.constant 0 : i32
      %dma_wait3A_299 = arith.constant 0 : i32
      %dma_wait3A_300 = tpu.memref_slice %arg10[%dma_wait3A_289, %dma_wait3A_298, %dma_wait3A_299] : memref<3x128x128xf32, #tpu.memory_space<vmem>> -> memref<1x128x128xf32, #tpu.memory_space<vmem>>
      %dma_wait3A_301 = tpu.memref_squeeze %dma_wait3A_300 : memref<1x128x128xf32, #tpu.memory_space<vmem>> -> memref<128x128xf32, #tpu.memory_space<vmem>>
      tpu.wait_dma2 semaphore(%arg17 : memref<!tpu.dma_semaphore, #tpu.memory_space<semaphore_mem>>) src(%dma_wait3A_301 : memref<128x128xf32, #tpu.memory_space<vmem>>) dst(%dma_wait3A_297 : memref<128x128xf32, #tpu.memory_space<hbm>>)
      %lt3A = arith.constant 25 : i32
      %lt3A_302 = arith.cmpi slt, %scan3A_137, %lt3A : i32
      %convert_element_type3A_303 = arith.extui %lt3A_302 : i1 to i32
      %cond3A_304 = arith.constant 0 : i32
      %cond3A_305 = arith.cmpi ne, %convert_element_type3A_303, %cond3A_304 : i32
      scf.if %cond3A_305 {
        %add3A_505 = arith.constant 2 : i32
        %add3A_506 = arith.addi %add3A_271, %add3A_505 : i32
        %mul3A_507 = arith.constant 128 : i32
        %mul3A_508 = arith.muli %add3A_506, %mul3A_507 : i32
        %add3A_509 = arith.addi %add3A_4, %mul3A_508 : i32
        %dma_start3A_510 = arith.constant 0 : i32
        %dma_start3A_511 = arith.constant 0 : i32
        %dma_start3A_512 = tpu.memref_slice %arg7[%dma_start3A_510, %dma_start3A_511] : memref<3x128xi32, #tpu.memory_space<vmem>> -> memref<1x128xi32, #tpu.memory_space<vmem>>
        %dma_start3A_513 = tpu.memref_squeeze %dma_start3A_512 : memref<1x128xi32, #tpu.memory_space<vmem>> -> memref<128xi32, #tpu.memory_space<vmem>>
        %dma_start3A_514 = tpu.memref_slice %arg3[%add3A_509] : memref<320000xi32, #tpu.memory_space<hbm>> -> memref<128xi32, #tpu.memory_space<hbm>>
        %dma_start3A_515 = arith.constant 0 : i32
        %dma_start3A_516 = tpu.memref_slice %arg7[%dma_start3A_510, %dma_start3A_515] : memref<3x128xi32, #tpu.memory_space<vmem>> -> memref<1x128xi32, #tpu.memory_space<vmem>>
        %dma_start3A_517 = tpu.memref_squeeze %dma_start3A_516 : memref<1x128xi32, #tpu.memory_space<vmem>> -> memref<128xi32, #tpu.memory_space<vmem>>
        %dma_start3A_518 = tpu.memref_slice %arg3[%add3A_509] : memref<320000xi32, #tpu.memory_space<hbm>> -> memref<128xi32, #tpu.memory_space<hbm>>
        tpu.enqueue_dma source(%dma_start3A_518 : memref<128xi32, #tpu.memory_space<hbm>>) target(%dma_start3A_517 : memref<128xi32, #tpu.memory_space<vmem>>) target_semaphore(%arg11 : memref<!tpu.dma_semaphore, #tpu.memory_space<semaphore_mem>>)
        %dma_start3A_519 = arith.constant 0 : i32
        %dma_start3A_520 = arith.constant 0 : i32
        %dma_start3A_521 = tpu.memref_slice %arg8[%dma_start3A_519, %dma_start3A_520] : memref<3x128xi32, #tpu.memory_space<vmem>> -> memref<1x128xi32, #tpu.memory_space<vmem>>
        %dma_start3A_522 = tpu.memref_squeeze %dma_start3A_521 : memref<1x128xi32, #tpu.memory_space<vmem>> -> memref<128xi32, #tpu.memory_space<vmem>>
        %dma_start3A_523 = tpu.memref_slice %arg4[%add3A_509] : memref<320000xi32, #tpu.memory_space<hbm>> -> memref<128xi32, #tpu.memory_space<hbm>>
        %dma_start3A_524 = arith.constant 0 : i32
        %dma_start3A_525 = tpu.memref_slice %arg8[%dma_start3A_519, %dma_start3A_524] : memref<3x128xi32, #tpu.memory_space<vmem>> -> memref<1x128xi32, #tpu.memory_space<vmem>>
        %dma_start3A_526 = tpu.memref_squeeze %dma_start3A_525 : memref<1x128xi32, #tpu.memory_space<vmem>> -> memref<128xi32, #tpu.memory_space<vmem>>
        %dma_start3A_527 = tpu.memref_slice %arg4[%add3A_509] : memref<320000xi32, #tpu.memory_space<hbm>> -> memref<128xi32, #tpu.memory_space<hbm>>
        tpu.enqueue_dma source(%dma_start3A_527 : memref<128xi32, #tpu.memory_space<hbm>>) target(%dma_start3A_526 : memref<128xi32, #tpu.memory_space<vmem>>) target_semaphore(%arg11 : memref<!tpu.dma_semaphore, #tpu.memory_space<semaphore_mem>>)
      } else {
      }
      %add3A_306 = arith.constant 1 : i32
      %add3A_307 = arith.addi %add3A_271, %add3A_306 : i32
      %mul3A_308 = arith.constant 128 : i32
      %mul3A_309 = arith.muli %add3A_307, %mul3A_308 : i32
      %add3A_310 = arith.addi %add3A_4, %mul3A_309 : i32
      %dma_wait3A_311 = arith.constant 2 : i32
      %dma_wait3A_312 = arith.constant 0 : i32
      %dma_wait3A_313 = tpu.memref_slice %arg7[%dma_wait3A_311, %dma_wait3A_312] : memref<3x128xi32, #tpu.memory_space<vmem>> -> memref<1x128xi32, #tpu.memory_space<vmem>>
      %dma_wait3A_314 = tpu.memref_squeeze %dma_wait3A_313 : memref<1x128xi32, #tpu.memory_space<vmem>> -> memref<128xi32, #tpu.memory_space<vmem>>
      %dma_wait3A_315 = tpu.memref_slice %arg3[%add3A_310] : memref<320000xi32, #tpu.memory_space<hbm>> -> memref<128xi32, #tpu.memory_space<hbm>>
      %dma_wait3A_316 = arith.constant 0 : i32
      %dma_wait3A_317 = tpu.memref_slice %arg7[%dma_wait3A_311, %dma_wait3A_316] : memref<3x128xi32, #tpu.memory_space<vmem>> -> memref<1x128xi32, #tpu.memory_space<vmem>>
      %dma_wait3A_318 = tpu.memref_squeeze %dma_wait3A_317 : memref<1x128xi32, #tpu.memory_space<vmem>> -> memref<128xi32, #tpu.memory_space<vmem>>
      %dma_wait3A_319 = tpu.memref_slice %arg3[%add3A_310] : memref<320000xi32, #tpu.memory_space<hbm>> -> memref<128xi32, #tpu.memory_space<hbm>>
      tpu.wait_dma2 semaphore(%arg13 : memref<!tpu.dma_semaphore, #tpu.memory_space<semaphore_mem>>) src(%dma_wait3A_319 : memref<128xi32, #tpu.memory_space<hbm>>) dst(%dma_wait3A_318 : memref<128xi32, #tpu.memory_space<vmem>>)
      %dma_wait3A_320 = arith.constant 2 : i32
      %dma_wait3A_321 = arith.constant 0 : i32
      %dma_wait3A_322 = tpu.memref_slice %arg8[%dma_wait3A_320, %dma_wait3A_321] : memref<3x128xi32, #tpu.memory_space<vmem>> -> memref<1x128xi32, #tpu.memory_space<vmem>>
      %dma_wait3A_323 = tpu.memref_squeeze %dma_wait3A_322 : memref<1x128xi32, #tpu.memory_space<vmem>> -> memref<128xi32, #tpu.memory_space<vmem>>
      %dma_wait3A_324 = tpu.memref_slice %arg4[%add3A_310] : memref<320000xi32, #tpu.memory_space<hbm>> -> memref<128xi32, #tpu.memory_space<hbm>>
      %dma_wait3A_325 = arith.constant 0 : i32
      %dma_wait3A_326 = tpu.memref_slice %arg8[%dma_wait3A_320, %dma_wait3A_325] : memref<3x128xi32, #tpu.memory_space<vmem>> -> memref<1x128xi32, #tpu.memory_space<vmem>>
      %dma_wait3A_327 = tpu.memref_squeeze %dma_wait3A_326 : memref<1x128xi32, #tpu.memory_space<vmem>> -> memref<128xi32, #tpu.memory_space<vmem>>
      %dma_wait3A_328 = tpu.memref_slice %arg4[%add3A_310] : memref<320000xi32, #tpu.memory_space<hbm>> -> memref<128xi32, #tpu.memory_space<hbm>>
      tpu.wait_dma2 semaphore(%arg13 : memref<!tpu.dma_semaphore, #tpu.memory_space<semaphore_mem>>) src(%dma_wait3A_328 : memref<128xi32, #tpu.memory_space<hbm>>) dst(%dma_wait3A_327 : memref<128xi32, #tpu.memory_space<vmem>>)
      %dma_start3A_329 = arith.constant 2 : i32
      %dma_start3A_330 = arith.constant 2 : i32
      %dma_start3A_331 = arith.constant 0 : i32
      %dma_start3A_332 = arith.constant 0 : i32
      %dma_start3A_333 = tpu.memref_slice %arg9[%dma_start3A_330, %dma_start3A_331, %dma_start3A_332] : memref<3x128x128xf32, #tpu.memory_space<vmem>> -> memref<1x128x128xf32, #tpu.memory_space<vmem>>
      %dma_start3A_334 = tpu.memref_squeeze %dma_start3A_333 : memref<1x128x128xf32, #tpu.memory_space<vmem>> -> memref<128x128xf32, #tpu.memory_space<vmem>>
      %dma_start3A_335 = arith.constant 0 : i32
      %dma_start3A_336 = tpu.memref_slice %arg7[%dma_start3A_329, %dma_start3A_335] : memref<3x128xi32, #tpu.memory_space<vmem>> -> memref<1x128xi32, #tpu.memory_space<vmem>>
      %dma_start3A_337 = tpu.memref_squeeze %dma_start3A_336 : memref<1x128xi32, #tpu.memory_space<vmem>> -> memref<128xi32, #tpu.memory_space<vmem>>
      %dma_start3A_338 = arith.constant 0 : i32
      %dma_start3A_339 = arith.constant 0 : i32
      %dma_start3A_340 = tpu.memref_slice %arg2[%dma_start3A_338, %dma_start3A_339] : memref<10000x128xf32, #tpu.memory_space<hbm>> -> memref<10000x128xf32, #tpu.memory_space<hbm>>
      tpu.enqueue_indirect_dma source(%dma_start3A_340 : memref<10000x128xf32, #tpu.memory_space<hbm>>) target(%dma_start3A_334 : memref<128x128xf32, #tpu.memory_space<vmem>>) offsets(%dma_start3A_337 : memref<128xi32, #tpu.memory_space<vmem>>) semaphore(%arg16 : memref<!tpu.dma_semaphore, #tpu.memory_space<semaphore_mem>>)
      %dma_start3A_341 = arith.constant 2 : i32
      %dma_start3A_342 = arith.constant 2 : i32
      %dma_start3A_343 = arith.constant 0 : i32
      %dma_start3A_344 = arith.constant 0 : i32
      %dma_start3A_345 = tpu.memref_slice %arg10[%dma_start3A_342, %dma_start3A_343, %dma_start3A_344] : memref<3x128x128xf32, #tpu.memory_space<vmem>> -> memref<1x128x128xf32, #tpu.memory_space<vmem>>
      %dma_start3A_346 = tpu.memref_squeeze %dma_start3A_345 : memref<1x128x128xf32, #tpu.memory_space<vmem>> -> memref<128x128xf32, #tpu.memory_space<vmem>>
      %dma_start3A_347 = arith.constant 0 : i32
      %dma_start3A_348 = tpu.memref_slice %arg8[%dma_start3A_341, %dma_start3A_347] : memref<3x128xi32, #tpu.memory_space<vmem>> -> memref<1x128xi32, #tpu.memory_space<vmem>>
      %dma_start3A_349 = tpu.memref_squeeze %dma_start3A_348 : memref<1x128xi32, #tpu.memory_space<vmem>> -> memref<128xi32, #tpu.memory_space<vmem>>
      %dma_start3A_350 = arith.constant 0 : i32
      %dma_start3A_351 = arith.constant 0 : i32
      %dma_start3A_352 = tpu.memref_slice %arg2[%dma_start3A_350, %dma_start3A_351] : memref<10000x128xf32, #tpu.memory_space<hbm>> -> memref<10000x128xf32, #tpu.memory_space<hbm>>
      tpu.enqueue_indirect_dma source(%dma_start3A_352 : memref<10000x128xf32, #tpu.memory_space<hbm>>) target(%dma_start3A_346 : memref<128x128xf32, #tpu.memory_space<vmem>>) offsets(%dma_start3A_349 : memref<128xi32, #tpu.memory_space<vmem>>) semaphore(%arg16 : memref<!tpu.dma_semaphore, #tpu.memory_space<semaphore_mem>>)
      %mul3A_353 = arith.constant 128 : i32
      %mul3A_354 = arith.muli %add3A_271, %mul3A_353 : i32
      %add3A_355 = arith.addi %mul3A_2, %mul3A_354 : i32
      %dma_wait3A_356 = arith.constant 1 : i32
      %dma_wait3A_357 = arith.constant 1 : i32
      %dma_wait3A_358 = arith.constant 0 : i32
      %dma_wait3A_359 = arith.constant 0 : i32
      %dma_wait3A_360 = tpu.memref_slice %arg9[%dma_wait3A_357, %dma_wait3A_358, %dma_wait3A_359] : memref<3x128x128xf32, #tpu.memory_space<vmem>> -> memref<1x128x128xf32, #tpu.memory_space<vmem>>
      %dma_wait3A_361 = tpu.memref_squeeze %dma_wait3A_360 : memref<1x128x128xf32, #tpu.memory_space<vmem>> -> memref<128x128xf32, #tpu.memory_space<vmem>>
      %dma_wait3A_362 = arith.constant 0 : i32
      %dma_wait3A_363 = tpu.memref_slice %arg7[%dma_wait3A_356, %dma_wait3A_362] : memref<3x128xi32, #tpu.memory_space<vmem>> -> memref<1x128xi32, #tpu.memory_space<vmem>>
      %dma_wait3A_364 = tpu.memref_squeeze %dma_wait3A_363 : memref<1x128xi32, #tpu.memory_space<vmem>> -> memref<128xi32, #tpu.memory_space<vmem>>
      %dma_wait3A_365 = arith.constant 0 : i32
      %dma_wait3A_366 = arith.constant 0 : i32
      %dma_wait3A_367 = tpu.memref_slice %arg2[%dma_wait3A_365, %dma_wait3A_366] : memref<10000x128xf32, #tpu.memory_space<hbm>> -> memref<10000x128xf32, #tpu.memory_space<hbm>>
      tpu.wait_indirect_dma semaphore(%arg15 : memref<!tpu.dma_semaphore, #tpu.memory_space<semaphore_mem>>) src(%dma_wait3A_367 : memref<10000x128xf32, #tpu.memory_space<hbm>>) dst(%dma_wait3A_361 : memref<128x128xf32, #tpu.memory_space<vmem>>)
      %dma_wait3A_368 = arith.constant 1 : i32
      %dma_wait3A_369 = arith.constant 1 : i32
      %dma_wait3A_370 = arith.constant 0 : i32
      %dma_wait3A_371 = arith.constant 0 : i32
      %dma_wait3A_372 = tpu.memref_slice %arg10[%dma_wait3A_369, %dma_wait3A_370, %dma_wait3A_371] : memref<3x128x128xf32, #tpu.memory_space<vmem>> -> memref<1x128x128xf32, #tpu.memory_space<vmem>>
      %dma_wait3A_373 = tpu.memref_squeeze %dma_wait3A_372 : memref<1x128x128xf32, #tpu.memory_space<vmem>> -> memref<128x128xf32, #tpu.memory_space<vmem>>
      %dma_wait3A_374 = arith.constant 0 : i32
      %dma_wait3A_375 = tpu.memref_slice %arg8[%dma_wait3A_368, %dma_wait3A_374] : memref<3x128xi32, #tpu.memory_space<vmem>> -> memref<1x128xi32, #tpu.memory_space<vmem>>
      %dma_wait3A_376 = tpu.memref_squeeze %dma_wait3A_375 : memref<1x128xi32, #tpu.memory_space<vmem>> -> memref<128xi32, #tpu.memory_space<vmem>>
      %dma_wait3A_377 = arith.constant 0 : i32
      %dma_wait3A_378 = arith.constant 0 : i32
      %dma_wait3A_379 = tpu.memref_slice %arg2[%dma_wait3A_377, %dma_wait3A_378] : memref<10000x128xf32, #tpu.memory_space<hbm>> -> memref<10000x128xf32, #tpu.memory_space<hbm>>
      tpu.wait_indirect_dma semaphore(%arg15 : memref<!tpu.dma_semaphore, #tpu.memory_space<semaphore_mem>>) src(%dma_wait3A_379 : memref<10000x128xf32, #tpu.memory_space<hbm>>) dst(%dma_wait3A_373 : memref<128x128xf32, #tpu.memory_space<vmem>>)
      %dma_start3A_380 = arith.constant 1 : i32
      %dma_start3A_381 = arith.constant 0 : i32
      %dma_start3A_382 = arith.constant 0 : i32
      %dma_start3A_383 = tpu.memref_slice %arg9[%dma_start3A_380, %dma_start3A_381, %dma_start3A_382] : memref<3x128x128xf32, #tpu.memory_space<vmem>> -> memref<1x128x128xf32, #tpu.memory_space<vmem>>
      %dma_start3A_384 = tpu.memref_squeeze %dma_start3A_383 : memref<1x128x128xf32, #tpu.memory_space<vmem>> -> memref<128x128xf32, #tpu.memory_space<vmem>>
      %dma_start3A_385 = arith.constant 0 : i32
      %dma_start3A_386 = tpu.memref_slice %arg5[%add3A_355, %dma_start3A_385] : memref<320000x128xf32, #tpu.memory_space<hbm>> -> memref<128x128xf32, #tpu.memory_space<hbm>>
      %dma_start3A_387 = arith.constant 0 : i32
      %dma_start3A_388 = tpu.memref_slice %arg5[%add3A_355, %dma_start3A_387] : memref<320000x128xf32, #tpu.memory_space<hbm>> -> memref<128x128xf32, #tpu.memory_space<hbm>>
      %dma_start3A_389 = arith.constant 0 : i32
      %dma_start3A_390 = arith.constant 0 : i32
      %dma_start3A_391 = tpu.memref_slice %arg9[%dma_start3A_380, %dma_start3A_389, %dma_start3A_390] : memref<3x128x128xf32, #tpu.memory_space<vmem>> -> memref<1x128x128xf32, #tpu.memory_space<vmem>>
      %dma_start3A_392 = tpu.memref_squeeze %dma_start3A_391 : memref<1x128x128xf32, #tpu.memory_space<vmem>> -> memref<128x128xf32, #tpu.memory_space<vmem>>
      tpu.enqueue_dma source(%dma_start3A_392 : memref<128x128xf32, #tpu.memory_space<vmem>>) target(%dma_start3A_388 : memref<128x128xf32, #tpu.memory_space<hbm>>) target_semaphore(%arg18 : memref<!tpu.dma_semaphore, #tpu.memory_space<semaphore_mem>>)
      %dma_start3A_393 = arith.constant 1 : i32
      %dma_start3A_394 = arith.constant 0 : i32
      %dma_start3A_395 = arith.constant 0 : i32
      %dma_start3A_396 = tpu.memref_slice %arg10[%dma_start3A_393, %dma_start3A_394, %dma_start3A_395] : memref<3x128x128xf32, #tpu.memory_space<vmem>> -> memref<1x128x128xf32, #tpu.memory_space<vmem>>
      %dma_start3A_397 = tpu.memref_squeeze %dma_start3A_396 : memref<1x128x128xf32, #tpu.memory_space<vmem>> -> memref<128x128xf32, #tpu.memory_space<vmem>>
      %dma_start3A_398 = arith.constant 0 : i32
      %dma_start3A_399 = tpu.memref_slice %arg6[%add3A_355, %dma_start3A_398] : memref<320000x128xf32, #tpu.memory_space<hbm>> -> memref<128x128xf32, #tpu.memory_space<hbm>>
      %dma_start3A_400 = arith.constant 0 : i32
      %dma_start3A_401 = tpu.memref_slice %arg6[%add3A_355, %dma_start3A_400] : memref<320000x128xf32, #tpu.memory_space<hbm>> -> memref<128x128xf32, #tpu.memory_space<hbm>>
      %dma_start3A_402 = arith.constant 0 : i32
      %dma_start3A_403 = arith.constant 0 : i32
      %dma_start3A_404 = tpu.memref_slice %arg10[%dma_start3A_393, %dma_start3A_402, %dma_start3A_403] : memref<3x128x128xf32, #tpu.memory_space<vmem>> -> memref<1x128x128xf32, #tpu.memory_space<vmem>>
      %dma_start3A_405 = tpu.memref_squeeze %dma_start3A_404 : memref<1x128x128xf32, #tpu.memory_space<vmem>> -> memref<128x128xf32, #tpu.memory_space<vmem>>
      tpu.enqueue_dma source(%dma_start3A_405 : memref<128x128xf32, #tpu.memory_space<vmem>>) target(%dma_start3A_401 : memref<128x128xf32, #tpu.memory_space<hbm>>) target_semaphore(%arg18 : memref<!tpu.dma_semaphore, #tpu.memory_space<semaphore_mem>>)
      %mul3A_406 = arith.constant 3 : i32
      %mul3A_407 = arith.muli %mul3A_406, %scan3A_137 : i32
      %add3A_408 = arith.constant 2 : i32
      %add3A_409 = arith.addi %mul3A_407, %add3A_408 : i32
      %sub3A_410 = arith.constant 1 : i32
      %sub3A_411 = arith.subi %add3A_409, %sub3A_410 : i32
      %mul3A_412 = arith.constant 128 : i32
      %mul3A_413 = arith.muli %sub3A_411, %mul3A_412 : i32
      %add3A_414 = arith.addi %mul3A_2, %mul3A_413 : i32
      %dma_wait3A_415 = arith.constant 1 : i32
      %dma_wait3A_416 = arith.constant 0 : i32
      %dma_wait3A_417 = arith.constant 0 : i32
      %dma_wait3A_418 = tpu.memref_slice %arg9[%dma_wait3A_415, %dma_wait3A_416, %dma_wait3A_417] : memref<3x128x128xf32, #tpu.memory_space<vmem>> -> memref<1x128x128xf32, #tpu.memory_space<vmem>>
      %dma_wait3A_419 = tpu.memref_squeeze %dma_wait3A_418 : memref<1x128x128xf32, #tpu.memory_space<vmem>> -> memref<128x128xf32, #tpu.memory_space<vmem>>
      %dma_wait3A_420 = arith.constant 0 : i32
      %dma_wait3A_421 = tpu.memref_slice %arg5[%add3A_414, %dma_wait3A_420] : memref<320000x128xf32, #tpu.memory_space<hbm>> -> memref<128x128xf32, #tpu.memory_space<hbm>>
      %dma_wait3A_422 = arith.constant 0 : i32
      %dma_wait3A_423 = tpu.memref_slice %arg5[%add3A_414, %dma_wait3A_422] : memref<320000x128xf32, #tpu.memory_space<hbm>> -> memref<128x128xf32, #tpu.memory_space<hbm>>
      %dma_wait3A_424 = arith.constant 0 : i32
      %dma_wait3A_425 = arith.constant 0 : i32
      %dma_wait3A_426 = tpu.memref_slice %arg9[%dma_wait3A_415, %dma_wait3A_424, %dma_wait3A_425] : memref<3x128x128xf32, #tpu.memory_space<vmem>> -> memref<1x128x128xf32, #tpu.memory_space<vmem>>
      %dma_wait3A_427 = tpu.memref_squeeze %dma_wait3A_426 : memref<1x128x128xf32, #tpu.memory_space<vmem>> -> memref<128x128xf32, #tpu.memory_space<vmem>>
      tpu.wait_dma2 semaphore(%arg18 : memref<!tpu.dma_semaphore, #tpu.memory_space<semaphore_mem>>) src(%dma_wait3A_427 : memref<128x128xf32, #tpu.memory_space<vmem>>) dst(%dma_wait3A_423 : memref<128x128xf32, #tpu.memory_space<hbm>>)
      %dma_wait3A_428 = arith.constant 1 : i32
      %dma_wait3A_429 = arith.constant 0 : i32
      %dma_wait3A_430 = arith.constant 0 : i32
      %dma_wait3A_431 = tpu.memref_slice %arg10[%dma_wait3A_428, %dma_wait3A_429, %dma_wait3A_430] : memref<3x128x128xf32, #tpu.memory_space<vmem>> -> memref<1x128x128xf32, #tpu.memory_space<vmem>>
      %dma_wait3A_432 = tpu.memref_squeeze %dma_wait3A_431 : memref<1x128x128xf32, #tpu.memory_space<vmem>> -> memref<128x128xf32, #tpu.memory_space<vmem>>
      %dma_wait3A_433 = arith.constant 0 : i32
      %dma_wait3A_434 = tpu.memref_slice %arg6[%add3A_414, %dma_wait3A_433] : memref<320000x128xf32, #tpu.memory_space<hbm>> -> memref<128x128xf32, #tpu.memory_space<hbm>>
      %dma_wait3A_435 = arith.constant 0 : i32
      %dma_wait3A_436 = tpu.memref_slice %arg6[%add3A_414, %dma_wait3A_435] : memref<320000x128xf32, #tpu.memory_space<hbm>> -> memref<128x128xf32, #tpu.memory_space<hbm>>
      %dma_wait3A_437 = arith.constant 0 : i32
      %dma_wait3A_438 = arith.constant 0 : i32
      %dma_wait3A_439 = tpu.memref_slice %arg10[%dma_wait3A_428, %dma_wait3A_437, %dma_wait3A_438] : memref<3x128x128xf32, #tpu.memory_space<vmem>> -> memref<1x128x128xf32, #tpu.memory_space<vmem>>
      %dma_wait3A_440 = tpu.memref_squeeze %dma_wait3A_439 : memref<1x128x128xf32, #tpu.memory_space<vmem>> -> memref<128x128xf32, #tpu.memory_space<vmem>>
      tpu.wait_dma2 semaphore(%arg18 : memref<!tpu.dma_semaphore, #tpu.memory_space<semaphore_mem>>) src(%dma_wait3A_440 : memref<128x128xf32, #tpu.memory_space<vmem>>) dst(%dma_wait3A_436 : memref<128x128xf32, #tpu.memory_space<hbm>>)
      %lt3A_441 = arith.constant 25 : i32
      %lt3A_442 = arith.cmpi slt, %scan3A_137, %lt3A_441 : i32
      %convert_element_type3A_443 = arith.extui %lt3A_442 : i1 to i32
      %cond3A_444 = arith.constant 0 : i32
      %cond3A_445 = arith.cmpi ne, %convert_element_type3A_443, %cond3A_444 : i32
      scf.if %cond3A_445 {
        %add3A_505 = arith.constant 2 : i32
        %add3A_506 = arith.addi %add3A_409, %add3A_505 : i32
        %mul3A_507 = arith.constant 128 : i32
        %mul3A_508 = arith.muli %add3A_506, %mul3A_507 : i32
        %add3A_509 = arith.addi %add3A_4, %mul3A_508 : i32
        %dma_start3A_510 = arith.constant 1 : i32
        %dma_start3A_511 = arith.constant 0 : i32
        %dma_start3A_512 = tpu.memref_slice %arg7[%dma_start3A_510, %dma_start3A_511] : memref<3x128xi32, #tpu.memory_space<vmem>> -> memref<1x128xi32, #tpu.memory_space<vmem>>
        %dma_start3A_513 = tpu.memref_squeeze %dma_start3A_512 : memref<1x128xi32, #tpu.memory_space<vmem>> -> memref<128xi32, #tpu.memory_space<vmem>>
        %dma_start3A_514 = tpu.memref_slice %arg3[%add3A_509] : memref<320000xi32, #tpu.memory_space<hbm>> -> memref<128xi32, #tpu.memory_space<hbm>>
        %dma_start3A_515 = arith.constant 0 : i32
        %dma_start3A_516 = tpu.memref_slice %arg7[%dma_start3A_510, %dma_start3A_515] : memref<3x128xi32, #tpu.memory_space<vmem>> -> memref<1x128xi32, #tpu.memory_space<vmem>>
        %dma_start3A_517 = tpu.memref_squeeze %dma_start3A_516 : memref<1x128xi32, #tpu.memory_space<vmem>> -> memref<128xi32, #tpu.memory_space<vmem>>
        %dma_start3A_518 = tpu.memref_slice %arg3[%add3A_509] : memref<320000xi32, #tpu.memory_space<hbm>> -> memref<128xi32, #tpu.memory_space<hbm>>
        tpu.enqueue_dma source(%dma_start3A_518 : memref<128xi32, #tpu.memory_space<hbm>>) target(%dma_start3A_517 : memref<128xi32, #tpu.memory_space<vmem>>) target_semaphore(%arg12 : memref<!tpu.dma_semaphore, #tpu.memory_space<semaphore_mem>>)
        %dma_start3A_519 = arith.constant 1 : i32
        %dma_start3A_520 = arith.constant 0 : i32
        %dma_start3A_521 = tpu.memref_slice %arg8[%dma_start3A_519, %dma_start3A_520] : memref<3x128xi32, #tpu.memory_space<vmem>> -> memref<1x128xi32, #tpu.memory_space<vmem>>
        %dma_start3A_522 = tpu.memref_squeeze %dma_start3A_521 : memref<1x128xi32, #tpu.memory_space<vmem>> -> memref<128xi32, #tpu.memory_space<vmem>>
        %dma_start3A_523 = tpu.memref_slice %arg4[%add3A_509] : memref<320000xi32, #tpu.memory_space<hbm>> -> memref<128xi32, #tpu.memory_space<hbm>>
        %dma_start3A_524 = arith.constant 0 : i32
        %dma_start3A_525 = tpu.memref_slice %arg8[%dma_start3A_519, %dma_start3A_524] : memref<3x128xi32, #tpu.memory_space<vmem>> -> memref<1x128xi32, #tpu.memory_space<vmem>>
        %dma_start3A_526 = tpu.memref_squeeze %dma_start3A_525 : memref<1x128xi32, #tpu.memory_space<vmem>> -> memref<128xi32, #tpu.memory_space<vmem>>
        %dma_start3A_527 = tpu.memref_slice %arg4[%add3A_509] : memref<320000xi32, #tpu.memory_space<hbm>> -> memref<128xi32, #tpu.memory_space<hbm>>
        tpu.enqueue_dma source(%dma_start3A_527 : memref<128xi32, #tpu.memory_space<hbm>>) target(%dma_start3A_526 : memref<128xi32, #tpu.memory_space<vmem>>) target_semaphore(%arg12 : memref<!tpu.dma_semaphore, #tpu.memory_space<semaphore_mem>>)
      } else {
      }
      %lt3A_446 = arith.constant 25 : i32
      %lt3A_447 = arith.cmpi slt, %scan3A_137, %lt3A_446 : i32
      %convert_element_type3A_448 = arith.extui %lt3A_447 : i1 to i32
      %cond3A_449 = arith.constant 0 : i32
      %cond3A_450 = arith.cmpi ne, %convert_element_type3A_448, %cond3A_449 : i32
      scf.if %cond3A_450 {
        %add3A_505 = arith.constant 1 : i32
        %add3A_506 = arith.addi %add3A_409, %add3A_505 : i32
        %mul3A_507 = arith.constant 128 : i32
        %mul3A_508 = arith.muli %add3A_506, %mul3A_507 : i32
        %add3A_509 = arith.addi %add3A_4, %mul3A_508 : i32
        %dma_wait3A_510 = arith.constant 0 : i32
        %dma_wait3A_511 = arith.constant 0 : i32
        %dma_wait3A_512 = tpu.memref_slice %arg7[%dma_wait3A_510, %dma_wait3A_511] : memref<3x128xi32, #tpu.memory_space<vmem>> -> memref<1x128xi32, #tpu.memory_space<vmem>>
        %dma_wait3A_513 = tpu.memref_squeeze %dma_wait3A_512 : memref<1x128xi32, #tpu.memory_space<vmem>> -> memref<128xi32, #tpu.memory_space<vmem>>
        %dma_wait3A_514 = tpu.memref_slice %arg3[%add3A_509] : memref<320000xi32, #tpu.memory_space<hbm>> -> memref<128xi32, #tpu.memory_space<hbm>>
        %dma_wait3A_515 = arith.constant 0 : i32
        %dma_wait3A_516 = tpu.memref_slice %arg7[%dma_wait3A_510, %dma_wait3A_515] : memref<3x128xi32, #tpu.memory_space<vmem>> -> memref<1x128xi32, #tpu.memory_space<vmem>>
        %dma_wait3A_517 = tpu.memref_squeeze %dma_wait3A_516 : memref<1x128xi32, #tpu.memory_space<vmem>> -> memref<128xi32, #tpu.memory_space<vmem>>
        %dma_wait3A_518 = tpu.memref_slice %arg3[%add3A_509] : memref<320000xi32, #tpu.memory_space<hbm>> -> memref<128xi32, #tpu.memory_space<hbm>>
        tpu.wait_dma2 semaphore(%arg11 : memref<!tpu.dma_semaphore, #tpu.memory_space<semaphore_mem>>) src(%dma_wait3A_518 : memref<128xi32, #tpu.memory_space<hbm>>) dst(%dma_wait3A_517 : memref<128xi32, #tpu.memory_space<vmem>>)
        %dma_wait3A_519 = arith.constant 0 : i32
        %dma_wait3A_520 = arith.constant 0 : i32
        %dma_wait3A_521 = tpu.memref_slice %arg8[%dma_wait3A_519, %dma_wait3A_520] : memref<3x128xi32, #tpu.memory_space<vmem>> -> memref<1x128xi32, #tpu.memory_space<vmem>>
        %dma_wait3A_522 = tpu.memref_squeeze %dma_wait3A_521 : memref<1x128xi32, #tpu.memory_space<vmem>> -> memref<128xi32, #tpu.memory_space<vmem>>
        %dma_wait3A_523 = tpu.memref_slice %arg4[%add3A_509] : memref<320000xi32, #tpu.memory_space<hbm>> -> memref<128xi32, #tpu.memory_space<hbm>>
        %dma_wait3A_524 = arith.constant 0 : i32
        %dma_wait3A_525 = tpu.memref_slice %arg8[%dma_wait3A_519, %dma_wait3A_524] : memref<3x128xi32, #tpu.memory_space<vmem>> -> memref<1x128xi32, #tpu.memory_space<vmem>>
        %dma_wait3A_526 = tpu.memref_squeeze %dma_wait3A_525 : memref<1x128xi32, #tpu.memory_space<vmem>> -> memref<128xi32, #tpu.memory_space<vmem>>
        %dma_wait3A_527 = tpu.memref_slice %arg4[%add3A_509] : memref<320000xi32, #tpu.memory_space<hbm>> -> memref<128xi32, #tpu.memory_space<hbm>>
        tpu.wait_dma2 semaphore(%arg11 : memref<!tpu.dma_semaphore, #tpu.memory_space<semaphore_mem>>) src(%dma_wait3A_527 : memref<128xi32, #tpu.memory_space<hbm>>) dst(%dma_wait3A_526 : memref<128xi32, #tpu.memory_space<vmem>>)
        %dma_start3A_528 = arith.constant 0 : i32
        %dma_start3A_529 = arith.constant 0 : i32
        %dma_start3A_530 = arith.constant 0 : i32
        %dma_start3A_531 = arith.constant 0 : i32
        %dma_start3A_532 = tpu.memref_slice %arg9[%dma_start3A_529, %dma_start3A_530, %dma_start3A_531] : memref<3x128x128xf32, #tpu.memory_space<vmem>> -> memref<1x128x128xf32, #tpu.memory_space<vmem>>
        %dma_start3A_533 = tpu.memref_squeeze %dma_start3A_532 : memref<1x128x128xf32, #tpu.memory_space<vmem>> -> memref<128x128xf32, #tpu.memory_space<vmem>>
        %dma_start3A_534 = arith.constant 0 : i32
        %dma_start3A_535 = tpu.memref_slice %arg7[%dma_start3A_528, %dma_start3A_534] : memref<3x128xi32, #tpu.memory_space<vmem>> -> memref<1x128xi32, #tpu.memory_space<vmem>>
        %dma_start3A_536 = tpu.memref_squeeze %dma_start3A_535 : memref<1x128xi32, #tpu.memory_space<vmem>> -> memref<128xi32, #tpu.memory_space<vmem>>
        %dma_start3A_537 = arith.constant 0 : i32
        %dma_start3A_538 = arith.constant 0 : i32
        %dma_start3A_539 = tpu.memref_slice %arg2[%dma_start3A_537, %dma_start3A_538] : memref<10000x128xf32, #tpu.memory_space<hbm>> -> memref<10000x128xf32, #tpu.memory_space<hbm>>
        tpu.enqueue_indirect_dma source(%dma_start3A_539 : memref<10000x128xf32, #tpu.memory_space<hbm>>) target(%dma_start3A_533 : memref<128x128xf32, #tpu.memory_space<vmem>>) offsets(%dma_start3A_536 : memref<128xi32, #tpu.memory_space<vmem>>) semaphore(%arg14 : memref<!tpu.dma_semaphore, #tpu.memory_space<semaphore_mem>>)
        %dma_start3A_540 = arith.constant 0 : i32
        %dma_start3A_541 = arith.constant 0 : i32
        %dma_start3A_542 = arith.constant 0 : i32
        %dma_start3A_543 = arith.constant 0 : i32
        %dma_start3A_544 = tpu.memref_slice %arg10[%dma_start3A_541, %dma_start3A_542, %dma_start3A_543] : memref<3x128x128xf32, #tpu.memory_space<vmem>> -> memref<1x128x128xf32, #tpu.memory_space<vmem>>
        %dma_start3A_545 = tpu.memref_squeeze %dma_start3A_544 : memref<1x128x128xf32, #tpu.memory_space<vmem>> -> memref<128x128xf32, #tpu.memory_space<vmem>>
        %dma_start3A_546 = arith.constant 0 : i32
        %dma_start3A_547 = tpu.memref_slice %arg8[%dma_start3A_540, %dma_start3A_546] : memref<3x128xi32, #tpu.memory_space<vmem>> -> memref<1x128xi32, #tpu.memory_space<vmem>>
        %dma_start3A_548 = tpu.memref_squeeze %dma_start3A_547 : memref<1x128xi32, #tpu.memory_space<vmem>> -> memref<128xi32, #tpu.memory_space<vmem>>
        %dma_start3A_549 = arith.constant 0 : i32
        %dma_start3A_550 = arith.constant 0 : i32
        %dma_start3A_551 = tpu.memref_slice %arg2[%dma_start3A_549, %dma_start3A_550] : memref<10000x128xf32, #tpu.memory_space<hbm>> -> memref<10000x128xf32, #tpu.memory_space<hbm>>
        tpu.enqueue_indirect_dma source(%dma_start3A_551 : memref<10000x128xf32, #tpu.memory_space<hbm>>) target(%dma_start3A_545 : memref<128x128xf32, #tpu.memory_space<vmem>>) offsets(%dma_start3A_548 : memref<128xi32, #tpu.memory_space<vmem>>) semaphore(%arg14 : memref<!tpu.dma_semaphore, #tpu.memory_space<semaphore_mem>>)
      } else {
      }
      %mul3A_451 = arith.constant 128 : i32
      %mul3A_452 = arith.muli %add3A_409, %mul3A_451 : i32
      %add3A_453 = arith.addi %mul3A_2, %mul3A_452 : i32
      %dma_wait3A_454 = arith.constant 2 : i32
      %dma_wait3A_455 = arith.constant 2 : i32
      %dma_wait3A_456 = arith.constant 0 : i32
      %dma_wait3A_457 = arith.constant 0 : i32
      %dma_wait3A_458 = tpu.memref_slice %arg9[%dma_wait3A_455, %dma_wait3A_456, %dma_wait3A_457] : memref<3x128x128xf32, #tpu.memory_space<vmem>> -> memref<1x128x128xf32, #tpu.memory_space<vmem>>
      %dma_wait3A_459 = tpu.memref_squeeze %dma_wait3A_458 : memref<1x128x128xf32, #tpu.memory_space<vmem>> -> memref<128x128xf32, #tpu.memory_space<vmem>>
      %dma_wait3A_460 = arith.constant 0 : i32
      %dma_wait3A_461 = tpu.memref_slice %arg7[%dma_wait3A_454, %dma_wait3A_460] : memref<3x128xi32, #tpu.memory_space<vmem>> -> memref<1x128xi32, #tpu.memory_space<vmem>>
      %dma_wait3A_462 = tpu.memref_squeeze %dma_wait3A_461 : memref<1x128xi32, #tpu.memory_space<vmem>> -> memref<128xi32, #tpu.memory_space<vmem>>
      %dma_wait3A_463 = arith.constant 0 : i32
      %dma_wait3A_464 = arith.constant 0 : i32
      %dma_wait3A_465 = tpu.memref_slice %arg2[%dma_wait3A_463, %dma_wait3A_464] : memref<10000x128xf32, #tpu.memory_space<hbm>> -> memref<10000x128xf32, #tpu.memory_space<hbm>>
      tpu.wait_indirect_dma semaphore(%arg16 : memref<!tpu.dma_semaphore, #tpu.memory_space<semaphore_mem>>) src(%dma_wait3A_465 : memref<10000x128xf32, #tpu.memory_space<hbm>>) dst(%dma_wait3A_459 : memref<128x128xf32, #tpu.memory_space<vmem>>)
      %dma_wait3A_466 = arith.constant 2 : i32
      %dma_wait3A_467 = arith.constant 2 : i32
      %dma_wait3A_468 = arith.constant 0 : i32
      %dma_wait3A_469 = arith.constant 0 : i32
      %dma_wait3A_470 = tpu.memref_slice %arg10[%dma_wait3A_467, %dma_wait3A_468, %dma_wait3A_469] : memref<3x128x128xf32, #tpu.memory_space<vmem>> -> memref<1x128x128xf32, #tpu.memory_space<vmem>>
      %dma_wait3A_471 = tpu.memref_squeeze %dma_wait3A_470 : memref<1x128x128xf32, #tpu.memory_space<vmem>> -> memref<128x128xf32, #tpu.memory_space<vmem>>
      %dma_wait3A_472 = arith.constant 0 : i32
      %dma_wait3A_473 = tpu.memref_slice %arg8[%dma_wait3A_466, %dma_wait3A_472] : memref<3x128xi32, #tpu.memory_space<vmem>> -> memref<1x128xi32, #tpu.memory_space<vmem>>
      %dma_wait3A_474 = tpu.memref_squeeze %dma_wait3A_473 : memref<1x128xi32, #tpu.memory_space<vmem>> -> memref<128xi32, #tpu.memory_space<vmem>>
      %dma_wait3A_475 = arith.constant 0 : i32
      %dma_wait3A_476 = arith.constant 0 : i32
      %dma_wait3A_477 = tpu.memref_slice %arg2[%dma_wait3A_475, %dma_wait3A_476] : memref<10000x128xf32, #tpu.memory_space<hbm>> -> memref<10000x128xf32, #tpu.memory_space<hbm>>
      tpu.wait_indirect_dma semaphore(%arg16 : memref<!tpu.dma_semaphore, #tpu.memory_space<semaphore_mem>>) src(%dma_wait3A_477 : memref<10000x128xf32, #tpu.memory_space<hbm>>) dst(%dma_wait3A_471 : memref<128x128xf32, #tpu.memory_space<vmem>>)
      %dma_start3A_478 = arith.constant 2 : i32
      %dma_start3A_479 = arith.constant 0 : i32
      %dma_start3A_480 = arith.constant 0 : i32
      %dma_start3A_481 = tpu.memref_slice %arg9[%dma_start3A_478, %dma_start3A_479, %dma_start3A_480] : memref<3x128x128xf32, #tpu.memory_space<vmem>> -> memref<1x128x128xf32, #tpu.memory_space<vmem>>
      %dma_start3A_482 = tpu.memref_squeeze %dma_start3A_481 : memref<1x128x128xf32, #tpu.memory_space<vmem>> -> memref<128x128xf32, #tpu.memory_space<vmem>>
      %dma_start3A_483 = arith.constant 0 : i32
      %dma_start3A_484 = tpu.memref_slice %arg5[%add3A_453, %dma_start3A_483] : memref<320000x128xf32, #tpu.memory_space<hbm>> -> memref<128x128xf32, #tpu.memory_space<hbm>>
      %dma_start3A_485 = arith.constant 0 : i32
      %dma_start3A_486 = tpu.memref_slice %arg5[%add3A_453, %dma_start3A_485] : memref<320000x128xf32, #tpu.memory_space<hbm>> -> memref<128x128xf32, #tpu.memory_space<hbm>>
      %dma_start3A_487 = arith.constant 0 : i32
      %dma_start3A_488 = arith.constant 0 : i32
      %dma_start3A_489 = tpu.memref_slice %arg9[%dma_start3A_478, %dma_start3A_487, %dma_start3A_488] : memref<3x128x128xf32, #tpu.memory_space<vmem>> -> memref<1x128x128xf32, #tpu.memory_space<vmem>>
      %dma_start3A_490 = tpu.memref_squeeze %dma_start3A_489 : memref<1x128x128xf32, #tpu.memory_space<vmem>> -> memref<128x128xf32, #tpu.memory_space<vmem>>
      tpu.enqueue_dma source(%dma_start3A_490 : memref<128x128xf32, #tpu.memory_space<vmem>>) target(%dma_start3A_486 : memref<128x128xf32, #tpu.memory_space<hbm>>) target_semaphore(%arg19 : memref<!tpu.dma_semaphore, #tpu.memory_space<semaphore_mem>>)
      %dma_start3A_491 = arith.constant 2 : i32
      %dma_start3A_492 = arith.constant 0 : i32
      %dma_start3A_493 = arith.constant 0 : i32
      %dma_start3A_494 = tpu.memref_slice %arg10[%dma_start3A_491, %dma_start3A_492, %dma_start3A_493] : memref<3x128x128xf32, #tpu.memory_space<vmem>> -> memref<1x128x128xf32, #tpu.memory_space<vmem>>
      %dma_start3A_495 = tpu.memref_squeeze %dma_start3A_494 : memref<1x128x128xf32, #tpu.memory_space<vmem>> -> memref<128x128xf32, #tpu.memory_space<vmem>>
      %dma_start3A_496 = arith.constant 0 : i32
      %dma_start3A_497 = tpu.memref_slice %arg6[%add3A_453, %dma_start3A_496] : memref<320000x128xf32, #tpu.memory_space<hbm>> -> memref<128x128xf32, #tpu.memory_space<hbm>>
      %dma_start3A_498 = arith.constant 0 : i32
      %dma_start3A_499 = tpu.memref_slice %arg6[%add3A_453, %dma_start3A_498] : memref<320000x128xf32, #tpu.memory_space<hbm>> -> memref<128x128xf32, #tpu.memory_space<hbm>>
      %dma_start3A_500 = arith.constant 0 : i32
      %dma_start3A_501 = arith.constant 0 : i32
      %dma_start3A_502 = tpu.memref_slice %arg10[%dma_start3A_491, %dma_start3A_500, %dma_start3A_501] : memref<3x128x128xf32, #tpu.memory_space<vmem>> -> memref<1x128x128xf32, #tpu.memory_space<vmem>>
      %dma_start3A_503 = tpu.memref_squeeze %dma_start3A_502 : memref<1x128x128xf32, #tpu.memory_space<vmem>> -> memref<128x128xf32, #tpu.memory_space<vmem>>
      tpu.enqueue_dma source(%dma_start3A_503 : memref<128x128xf32, #tpu.memory_space<vmem>>) target(%dma_start3A_499 : memref<128x128xf32, #tpu.memory_space<hbm>>) target_semaphore(%arg19 : memref<!tpu.dma_semaphore, #tpu.memory_space<semaphore_mem>>)
      %scan3A_504 = arith.constant 0 : i32
      scf.yield %scan3A_504 : i32
    }
    %scan3A_92 = arith.constant 26 : i32
    %add3A_93 = arith.constant 9856 : i32
    %add3A_94 = arith.addi %mul3A_2, %add3A_93 : i32
    %dma_wait3A_95 = arith.constant 2 : i32
    %dma_wait3A_96 = arith.constant 0 : i32
    %dma_wait3A_97 = arith.constant 0 : i32
    %dma_wait3A_98 = tpu.memref_slice %arg9[%dma_wait3A_95, %dma_wait3A_96, %dma_wait3A_97] : memref<3x128x128xf32, #tpu.memory_space<vmem>> -> memref<1x128x128xf32, #tpu.memory_space<vmem>>
    %dma_wait3A_99 = tpu.memref_squeeze %dma_wait3A_98 : memref<1x128x128xf32, #tpu.memory_space<vmem>> -> memref<128x128xf32, #tpu.memory_space<vmem>>
    %dma_wait3A_100 = arith.constant 0 : i32
    %dma_wait3A_101 = tpu.memref_slice %arg5[%add3A_94, %dma_wait3A_100] : memref<320000x128xf32, #tpu.memory_space<hbm>> -> memref<128x128xf32, #tpu.memory_space<hbm>>
    %dma_wait3A_102 = arith.constant 0 : i32
    %dma_wait3A_103 = tpu.memref_slice %arg5[%add3A_94, %dma_wait3A_102] : memref<320000x128xf32, #tpu.memory_space<hbm>> -> memref<128x128xf32, #tpu.memory_space<hbm>>
    %dma_wait3A_104 = arith.constant 0 : i32
    %dma_wait3A_105 = arith.constant 0 : i32
    %dma_wait3A_106 = tpu.memref_slice %arg9[%dma_wait3A_95, %dma_wait3A_104, %dma_wait3A_105] : memref<3x128x128xf32, #tpu.memory_space<vmem>> -> memref<1x128x128xf32, #tpu.memory_space<vmem>>
    %dma_wait3A_107 = tpu.memref_squeeze %dma_wait3A_106 : memref<1x128x128xf32, #tpu.memory_space<vmem>> -> memref<128x128xf32, #tpu.memory_space<vmem>>
    tpu.wait_dma2 semaphore(%arg19 : memref<!tpu.dma_semaphore, #tpu.memory_space<semaphore_mem>>) src(%dma_wait3A_107 : memref<128x128xf32, #tpu.memory_space<vmem>>) dst(%dma_wait3A_103 : memref<128x128xf32, #tpu.memory_space<hbm>>)
    %dma_wait3A_108 = arith.constant 2 : i32
    %dma_wait3A_109 = arith.constant 0 : i32
    %dma_wait3A_110 = arith.constant 0 : i32
    %dma_wait3A_111 = tpu.memref_slice %arg10[%dma_wait3A_108, %dma_wait3A_109, %dma_wait3A_110] : memref<3x128x128xf32, #tpu.memory_space<vmem>> -> memref<1x128x128xf32, #tpu.memory_space<vmem>>
    %dma_wait3A_112 = tpu.memref_squeeze %dma_wait3A_111 : memref<1x128x128xf32, #tpu.memory_space<vmem>> -> memref<128x128xf32, #tpu.memory_space<vmem>>
    %dma_wait3A_113 = arith.constant 0 : i32
    %dma_wait3A_114 = tpu.memref_slice %arg6[%add3A_94, %dma_wait3A_113] : memref<320000x128xf32, #tpu.memory_space<hbm>> -> memref<128x128xf32, #tpu.memory_space<hbm>>
    %dma_wait3A_115 = arith.constant 0 : i32
    %dma_wait3A_116 = tpu.memref_slice %arg6[%add3A_94, %dma_wait3A_115] : memref<320000x128xf32, #tpu.memory_space<hbm>> -> memref<128x128xf32, #tpu.memory_space<hbm>>
    %dma_wait3A_117 = arith.constant 0 : i32
    %dma_wait3A_118 = arith.constant 0 : i32
    %dma_wait3A_119 = tpu.memref_slice %arg10[%dma_wait3A_108, %dma_wait3A_117, %dma_wait3A_118] : memref<3x128x128xf32, #tpu.memory_space<vmem>> -> memref<1x128x128xf32, #tpu.memory_space<vmem>>
    %dma_wait3A_120 = tpu.memref_squeeze %dma_wait3A_119 : memref<1x128x128xf32, #tpu.memory_space<vmem>> -> memref<128x128xf32, #tpu.memory_space<vmem>>
    tpu.wait_dma2 semaphore(%arg19 : memref<!tpu.dma_semaphore, #tpu.memory_space<semaphore_mem>>) src(%dma_wait3A_120 : memref<128x128xf32, #tpu.memory_space<vmem>>) dst(%dma_wait3A_116 : memref<128x128xf32, #tpu.memory_space<hbm>>)
    %add3A_121 = arith.constant 9984 : i32
    %add3A_122 = arith.addi %add3A_4, %add3A_121 : i32
    %add3A_123 = arith.constant 9984 : i32
    %add3A_124 = arith.addi %mul3A_2, %add3A_123 : i32
    "tpu.region"() ({
      %run_scoped3A = tpu.sem_alloc : memref<!tpu.dma_semaphore, #tpu.memory_space<semaphore_mem>>
      %dma_start3A_137 = tpu.memref_slice %arg3[%add3A_122] : memref<320000xi32, #tpu.memory_space<hbm>> -> memref<16xi32, #tpu.memory_space<hbm>>
      %dma_start3A_138 = tpu.memref_slice %arg3[%add3A_122] : memref<320000xi32, #tpu.memory_space<hbm>> -> memref<16xi32, #tpu.memory_space<hbm>>
      tpu.enqueue_dma source(%dma_start3A_138 : memref<16xi32, #tpu.memory_space<hbm>>) target(%arg20 : memref<16xi32, #tpu.memory_space<vmem>>) target_semaphore(%run_scoped3A : memref<!tpu.dma_semaphore, #tpu.memory_space<semaphore_mem>>)
      %dma_wait3A_139 = tpu.memref_slice %arg3[%add3A_122] : memref<320000xi32, #tpu.memory_space<hbm>> -> memref<16xi32, #tpu.memory_space<hbm>>
      %dma_wait3A_140 = tpu.memref_slice %arg3[%add3A_122] : memref<320000xi32, #tpu.memory_space<hbm>> -> memref<16xi32, #tpu.memory_space<hbm>>
      tpu.wait_dma2 semaphore(%run_scoped3A : memref<!tpu.dma_semaphore, #tpu.memory_space<semaphore_mem>>) src(%dma_wait3A_140 : memref<16xi32, #tpu.memory_space<hbm>>) dst(%arg20 : memref<16xi32, #tpu.memory_space<vmem>>)
      tpu.yield
    }) : () -> ()
    "tpu.region"() ({
      %run_scoped3A = tpu.sem_alloc : memref<!tpu.dma_semaphore, #tpu.memory_space<semaphore_mem>>
      %dma_start3A_137 = tpu.memref_slice %arg4[%add3A_122] : memref<320000xi32, #tpu.memory_space<hbm>> -> memref<16xi32, #tpu.memory_space<hbm>>
      %dma_start3A_138 = tpu.memref_slice %arg4[%add3A_122] : memref<320000xi32, #tpu.memory_space<hbm>> -> memref<16xi32, #tpu.memory_space<hbm>>
      tpu.enqueue_dma source(%dma_start3A_138 : memref<16xi32, #tpu.memory_space<hbm>>) target(%arg21 : memref<16xi32, #tpu.memory_space<vmem>>) target_semaphore(%run_scoped3A : memref<!tpu.dma_semaphore, #tpu.memory_space<semaphore_mem>>)
      %dma_wait3A_139 = tpu.memref_slice %arg4[%add3A_122] : memref<320000xi32, #tpu.memory_space<hbm>> -> memref<16xi32, #tpu.memory_space<hbm>>
      %dma_wait3A_140 = tpu.memref_slice %arg4[%add3A_122] : memref<320000xi32, #tpu.memory_space<hbm>> -> memref<16xi32, #tpu.memory_space<hbm>>
      tpu.wait_dma2 semaphore(%run_scoped3A : memref<!tpu.dma_semaphore, #tpu.memory_space<semaphore_mem>>) src(%dma_wait3A_140 : memref<16xi32, #tpu.memory_space<hbm>>) dst(%arg21 : memref<16xi32, #tpu.memory_space<vmem>>)
      tpu.yield
    }) : () -> ()
    %dma_start3A_125 = arith.constant 0 : i32
    %dma_start3A_126 = arith.constant 0 : i32
    %dma_start3A_127 = tpu.memref_slice %arg2[%dma_start3A_125, %dma_start3A_126] : memref<10000x128xf32, #tpu.memory_space<hbm>> -> memref<10000x128xf32, #tpu.memory_space<hbm>>
    tpu.enqueue_indirect_dma source(%dma_start3A_127 : memref<10000x128xf32, #tpu.memory_space<hbm>>) target(%arg22 : memref<16x128xf32, #tpu.memory_space<vmem>>) offsets(%arg20 : memref<16xi32, #tpu.memory_space<vmem>>) semaphore(%arg14 : memref<!tpu.dma_semaphore, #tpu.memory_space<semaphore_mem>>)
    %dma_start3A_128 = arith.constant 0 : i32
    %dma_start3A_129 = arith.constant 0 : i32
    %dma_start3A_130 = tpu.memref_slice %arg2[%dma_start3A_128, %dma_start3A_129] : memref<10000x128xf32, #tpu.memory_space<hbm>> -> memref<10000x128xf32, #tpu.memory_space<hbm>>
    tpu.enqueue_indirect_dma source(%dma_start3A_130 : memref<10000x128xf32, #tpu.memory_space<hbm>>) target(%arg23 : memref<16x128xf32, #tpu.memory_space<vmem>>) offsets(%arg21 : memref<16xi32, #tpu.memory_space<vmem>>) semaphore(%arg15 : memref<!tpu.dma_semaphore, #tpu.memory_space<semaphore_mem>>)
    %dma_wait3A_131 = arith.constant 0 : i32
    %dma_wait3A_132 = arith.constant 0 : i32
    %dma_wait3A_133 = tpu.memref_slice %arg2[%dma_wait3A_131, %dma_wait3A_132] : memref<10000x128xf32, #tpu.memory_space<hbm>> -> memref<10000x128xf32, #tpu.memory_space<hbm>>
    tpu.wait_indirect_dma semaphore(%arg14 : memref<!tpu.dma_semaphore, #tpu.memory_space<semaphore_mem>>) src(%dma_wait3A_133 : memref<10000x128xf32, #tpu.memory_space<hbm>>) dst(%arg22 : memref<16x128xf32, #tpu.memory_space<vmem>>)
    %dma_wait3A_134 = arith.constant 0 : i32
    %dma_wait3A_135 = arith.constant 0 : i32
    %dma_wait3A_136 = tpu.memref_slice %arg2[%dma_wait3A_134, %dma_wait3A_135] : memref<10000x128xf32, #tpu.memory_space<hbm>> -> memref<10000x128xf32, #tpu.memory_space<hbm>>
    tpu.wait_indirect_dma semaphore(%arg15 : memref<!tpu.dma_semaphore, #tpu.memory_space<semaphore_mem>>) src(%dma_wait3A_136 : memref<10000x128xf32, #tpu.memory_space<hbm>>) dst(%arg23 : memref<16x128xf32, #tpu.memory_space<vmem>>)
    "tpu.region"() ({
      %run_scoped3A = tpu.sem_alloc : memref<!tpu.dma_semaphore, #tpu.memory_space<semaphore_mem>>
      %dma_start3A_137 = arith.constant 0 : i32
      %dma_start3A_138 = tpu.memref_slice %arg5[%add3A_124, %dma_start3A_137] : memref<320000x128xf32, #tpu.memory_space<hbm>> -> memref<16x128xf32, #tpu.memory_space<hbm>>
      %dma_start3A_139 = arith.constant 0 : i32
      %dma_start3A_140 = tpu.memref_slice %arg5[%add3A_124, %dma_start3A_139] : memref<320000x128xf32, #tpu.memory_space<hbm>> -> memref<16x128xf32, #tpu.memory_space<hbm>>
      tpu.enqueue_dma source(%arg22 : memref<16x128xf32, #tpu.memory_space<vmem>>) target(%dma_start3A_140 : memref<16x128xf32, #tpu.memory_space<hbm>>) target_semaphore(%run_scoped3A : memref<!tpu.dma_semaphore, #tpu.memory_space<semaphore_mem>>)
      %dma_wait3A_141 = arith.constant 0 : i32
      %dma_wait3A_142 = tpu.memref_slice %arg5[%add3A_124, %dma_wait3A_141] : memref<320000x128xf32, #tpu.memory_space<hbm>> -> memref<16x128xf32, #tpu.memory_space<hbm>>
      %dma_wait3A_143 = arith.constant 0 : i32
      %dma_wait3A_144 = tpu.memref_slice %arg5[%add3A_124, %dma_wait3A_143] : memref<320000x128xf32, #tpu.memory_space<hbm>> -> memref<16x128xf32, #tpu.memory_space<hbm>>
      tpu.wait_dma2 semaphore(%run_scoped3A : memref<!tpu.dma_semaphore, #tpu.memory_space<semaphore_mem>>) src(%arg22 : memref<16x128xf32, #tpu.memory_space<vmem>>) dst(%dma_wait3A_144 : memref<16x128xf32, #tpu.memory_space<hbm>>)
      tpu.yield
    }) : () -> ()
    "tpu.region"() ({
      %run_scoped3A = tpu.sem_alloc : memref<!tpu.dma_semaphore, #tpu.memory_space<semaphore_mem>>
      %dma_start3A_137 = arith.constant 0 : i32
      %dma_start3A_138 = tpu.memref_slice %arg6[%add3A_124, %dma_start3A_137] : memref<320000x128xf32, #tpu.memory_space<hbm>> -> memref<16x128xf32, #tpu.memory_space<hbm>>
      %dma_start3A_139 = arith.constant 0 : i32
      %dma_start3A_140 = tpu.memref_slice %arg6[%add3A_124, %dma_start3A_139] : memref<320000x128xf32, #tpu.memory_space<hbm>> -> memref<16x128xf32, #tpu.memory_space<hbm>>
      tpu.enqueue_dma source(%arg23 : memref<16x128xf32, #tpu.memory_space<vmem>>) target(%dma_start3A_140 : memref<16x128xf32, #tpu.memory_space<hbm>>) target_semaphore(%run_scoped3A : memref<!tpu.dma_semaphore, #tpu.memory_space<semaphore_mem>>)
      %dma_wait3A_141 = arith.constant 0 : i32
      %dma_wait3A_142 = tpu.memref_slice %arg6[%add3A_124, %dma_wait3A_141] : memref<320000x128xf32, #tpu.memory_space<hbm>> -> memref<16x128xf32, #tpu.memory_space<hbm>>
      %dma_wait3A_143 = arith.constant 0 : i32
      %dma_wait3A_144 = tpu.memref_slice %arg6[%add3A_124, %dma_wait3A_143] : memref<320000x128xf32, #tpu.memory_space<hbm>> -> memref<16x128xf32, #tpu.memory_space<hbm>>
      tpu.wait_dma2 semaphore(%run_scoped3A : memref<!tpu.dma_semaphore, #tpu.memory_space<semaphore_mem>>) src(%arg23 : memref<16x128xf32, #tpu.memory_space<vmem>>) dst(%dma_wait3A_144 : memref<16x128xf32, #tpu.memory_space<hbm>>)
      tpu.yield
    }) : () -> ()
    return
  }
}

#map = affine_map<(d0, d1) -> (0, 0)>
#map1 = affine_map<(d0, d1) -> (0)>
#map2 = affine_map<(d0, d1) -> (0, 0, 0)>
module attributes {stable_mosaic.version = 14 : i64} {
  func.func @_scatter(%arg0: i32, %arg1: i32, %arg2: memref<320000x128xf32, #tpu.memory_space<hbm>>, %arg3: memref<320000xi32, #tpu.memory_space<hbm>>, %arg4: memref<10240x128xf32, #tpu.memory_space<hbm>>, %arg5: memref<2x10240x128xf32, #tpu.memory_space<hbm>>, %arg6: memref<10240x128xf32, #tpu.memory_space<vmem_shared>>, %arg7: memref<2x128xi32, #tpu.memory_space<vmem>>, %arg8: memref<2x128x128xf32, #tpu.memory_space<vmem>>, %arg9: memref<!tpu.dma_semaphore, #tpu.memory_space<semaphore_mem>>, %arg10: memref<!tpu.dma_semaphore, #tpu.memory_space<semaphore_mem>>, %arg11: memref<16xi32, #tpu.memory_space<vmem>>, %arg12: memref<16x128xf32, #tpu.memory_space<vmem>>) attributes {dimension_semantics = [#tpu.dimension_semantics<core_parallel>, #tpu.dimension_semantics<subcore_parallel>], iteration_bounds = array<i64: 2, 16>, scalar_prefetch = 0 : i64, scratch_operands = 7 : i64, tpu.core_type = #tpu.core_type<sc_vector_subcore>, window_params = [{transform_indices = #map}, {transform_indices = #map1}, {transform_indices = #map}, {transform_indices = #map2}]} {
    %mul3A = arith.constant 2 : i32
    %mul3A_0 = arith.muli %arg1, %mul3A : i32
    %add3A = arith.addi %mul3A_0, %arg0 : i32
    %mul3A_1 = arith.constant 640 : i32
    %mul3A_2 = arith.muli %arg1, %mul3A_1 : i32
    %mul3A_3 = arith.constant 640 : i32
    %mul3A_4 = arith.muli %arg1, %mul3A_3 : i32
    "tpu.region"() ({
      %run_scoped3A = tpu.sem_alloc : memref<!tpu.dma_semaphore, #tpu.memory_space<semaphore_mem>>
      %dma_start3A_49 = arith.constant 0 : i32
      %dma_start3A_50 = tpu.memref_slice %arg6[%mul3A_4, %dma_start3A_49] : memref<10240x128xf32, #tpu.memory_space<vmem_shared>> -> memref<640x128xf32, #tpu.memory_space<vmem_shared>>
      %dma_start3A_51 = arith.constant 0 : i32
      %dma_start3A_52 = tpu.memref_slice %arg4[%mul3A_2, %dma_start3A_51] : memref<10240x128xf32, #tpu.memory_space<hbm>> -> memref<640x128xf32, #tpu.memory_space<hbm>>
      tpu.enqueue_dma source(%dma_start3A_52 : memref<640x128xf32, #tpu.memory_space<hbm>>) target(%dma_start3A_50 : memref<640x128xf32, #tpu.memory_space<vmem_shared>>) target_semaphore(%run_scoped3A : memref<!tpu.dma_semaphore, #tpu.memory_space<semaphore_mem>>)
      %dma_wait3A = arith.constant 0 : i32
      %dma_wait3A_53 = tpu.memref_slice %arg6[%mul3A_4, %dma_wait3A] : memref<10240x128xf32, #tpu.memory_space<vmem_shared>> -> memref<640x128xf32, #tpu.memory_space<vmem_shared>>
      %dma_wait3A_54 = arith.constant 0 : i32
      %dma_wait3A_55 = tpu.memref_slice %arg4[%mul3A_2, %dma_wait3A_54] : memref<10240x128xf32, #tpu.memory_space<hbm>> -> memref<640x128xf32, #tpu.memory_space<hbm>>
      tpu.wait_dma2 semaphore(%run_scoped3A : memref<!tpu.dma_semaphore, #tpu.memory_space<semaphore_mem>>) src(%dma_wait3A_55 : memref<640x128xf32, #tpu.memory_space<hbm>>) dst(%dma_wait3A_53 : memref<640x128xf32, #tpu.memory_space<vmem_shared>>)
      tpu.yield
    }) : () -> ()
    %barrier3A = arith.constant 0 : index
    tpu.barrier barrier_id(%barrier3A)
    %mul3A_5 = arith.constant 10000 : i32
    %mul3A_6 = arith.muli %add3A, %mul3A_5 : i32
    %add3A_7 = arith.constant 0 : i32
    %add3A_8 = arith.addi %add3A_7, %mul3A_6 : i32
    %add3A_9 = arith.constant 0 : i32
    %add3A_10 = arith.addi %add3A_8, %add3A_9 : i32
    %dma_start3A = arith.constant 0 : i32
    %dma_start3A_11 = arith.constant 0 : i32
    %dma_start3A_12 = tpu.memref_slice %arg7[%dma_start3A, %dma_start3A_11] : memref<2x128xi32, #tpu.memory_space<vmem>> -> memref<1x128xi32, #tpu.memory_space<vmem>>
    %dma_start3A_13 = tpu.memref_squeeze %dma_start3A_12 : memref<1x128xi32, #tpu.memory_space<vmem>> -> memref<128xi32, #tpu.memory_space<vmem>>
    %dma_start3A_14 = tpu.memref_slice %arg3[%add3A_10] : memref<320000xi32, #tpu.memory_space<hbm>> -> memref<128xi32, #tpu.memory_space<hbm>>
    %dma_start3A_15 = arith.constant 0 : i32
    %dma_start3A_16 = tpu.memref_slice %arg7[%dma_start3A, %dma_start3A_15] : memref<2x128xi32, #tpu.memory_space<vmem>> -> memref<1x128xi32, #tpu.memory_space<vmem>>
    %dma_start3A_17 = tpu.memref_squeeze %dma_start3A_16 : memref<1x128xi32, #tpu.memory_space<vmem>> -> memref<128xi32, #tpu.memory_space<vmem>>
    %dma_start3A_18 = tpu.memref_slice %arg3[%add3A_10] : memref<320000xi32, #tpu.memory_space<hbm>> -> memref<128xi32, #tpu.memory_space<hbm>>
    tpu.enqueue_dma source(%dma_start3A_18 : memref<128xi32, #tpu.memory_space<hbm>>) target(%dma_start3A_17 : memref<128xi32, #tpu.memory_space<vmem>>) target_semaphore(%arg9 : memref<!tpu.dma_semaphore, #tpu.memory_space<semaphore_mem>>)
    %add3A_19 = arith.constant 0 : i32
    %add3A_20 = arith.addi %mul3A_6, %add3A_19 : i32
    %dma_start3A_21 = arith.constant 0 : i32
    %dma_start3A_22 = arith.constant 0 : i32
    %dma_start3A_23 = arith.constant 0 : i32
    %dma_start3A_24 = tpu.memref_slice %arg8[%dma_start3A_21, %dma_start3A_22, %dma_start3A_23] : memref<2x128x128xf32, #tpu.memory_space<vmem>> -> memref<1x128x128xf32, #tpu.memory_space<vmem>>
    %dma_start3A_25 = tpu.memref_squeeze %dma_start3A_24 : memref<1x128x128xf32, #tpu.memory_space<vmem>> -> memref<128x128xf32, #tpu.memory_space<vmem>>
    %dma_start3A_26 = arith.constant 0 : i32
    %dma_start3A_27 = tpu.memref_slice %arg2[%add3A_20, %dma_start3A_26] : memref<320000x128xf32, #tpu.memory_space<hbm>> -> memref<128x128xf32, #tpu.memory_space<hbm>>
    %dma_start3A_28 = arith.constant 0 : i32
    %dma_start3A_29 = arith.constant 0 : i32
    %dma_start3A_30 = tpu.memref_slice %arg8[%dma_start3A_21, %dma_start3A_28, %dma_start3A_29] : memref<2x128x128xf32, #tpu.memory_space<vmem>> -> memref<1x128x128xf32, #tpu.memory_space<vmem>>
    %dma_start3A_31 = tpu.memref_squeeze %dma_start3A_30 : memref<1x128x128xf32, #tpu.memory_space<vmem>> -> memref<128x128xf32, #tpu.memory_space<vmem>>
    %dma_start3A_32 = arith.constant 0 : i32
    %dma_start3A_33 = tpu.memref_slice %arg2[%add3A_20, %dma_start3A_32] : memref<320000x128xf32, #tpu.memory_space<hbm>> -> memref<128x128xf32, #tpu.memory_space<hbm>>
    tpu.enqueue_dma source(%dma_start3A_33 : memref<128x128xf32, #tpu.memory_space<hbm>>) target(%dma_start3A_31 : memref<128x128xf32, #tpu.memory_space<vmem>>) target_semaphore(%arg9 : memref<!tpu.dma_semaphore, #tpu.memory_space<semaphore_mem>>)
    %scan3A = arith.constant 0 : i32
    %scan3A_34 = arith.constant 0 : i32
    %scan3A_35 = arith.constant 39 : i32
    %scan3A_36 = arith.addi %scan3A_34, %scan3A_35 : i32
    %scan3A_37 = arith.constant 1 : i32
    %scan3A_38 = scf.for %scan3A_49 = %scan3A_34 to %scan3A_36 step %scan3A_37 iter_args(%scan3A_50 = %scan3A) -> (i32)  : i32 {
      %mul3A_51 = arith.constant 2 : i32
      %mul3A_52 = arith.muli %mul3A_51, %scan3A_49 : i32
      %add3A_53 = arith.constant 1 : i32
      %add3A_54 = arith.addi %mul3A_52, %add3A_53 : i32
      %mul3A_55 = arith.constant 128 : i32
      %mul3A_56 = arith.muli %add3A_54, %mul3A_55 : i32
      %add3A_57 = arith.addi %add3A_8, %mul3A_56 : i32
      %dma_start3A_58 = arith.constant 1 : i32
      %dma_start3A_59 = arith.constant 0 : i32
      %dma_start3A_60 = tpu.memref_slice %arg7[%dma_start3A_58, %dma_start3A_59] : memref<2x128xi32, #tpu.memory_space<vmem>> -> memref<1x128xi32, #tpu.memory_space<vmem>>
      %dma_start3A_61 = tpu.memref_squeeze %dma_start3A_60 : memref<1x128xi32, #tpu.memory_space<vmem>> -> memref<128xi32, #tpu.memory_space<vmem>>
      %dma_start3A_62 = tpu.memref_slice %arg3[%add3A_57] : memref<320000xi32, #tpu.memory_space<hbm>> -> memref<128xi32, #tpu.memory_space<hbm>>
      %dma_start3A_63 = arith.constant 0 : i32
      %dma_start3A_64 = tpu.memref_slice %arg7[%dma_start3A_58, %dma_start3A_63] : memref<2x128xi32, #tpu.memory_space<vmem>> -> memref<1x128xi32, #tpu.memory_space<vmem>>
      %dma_start3A_65 = tpu.memref_squeeze %dma_start3A_64 : memref<1x128xi32, #tpu.memory_space<vmem>> -> memref<128xi32, #tpu.memory_space<vmem>>
      %dma_start3A_66 = tpu.memref_slice %arg3[%add3A_57] : memref<320000xi32, #tpu.memory_space<hbm>> -> memref<128xi32, #tpu.memory_space<hbm>>
      tpu.enqueue_dma source(%dma_start3A_66 : memref<128xi32, #tpu.memory_space<hbm>>) target(%dma_start3A_65 : memref<128xi32, #tpu.memory_space<vmem>>) target_semaphore(%arg10 : memref<!tpu.dma_semaphore, #tpu.memory_space<semaphore_mem>>)
      %mul3A_67 = arith.constant 128 : i32
      %mul3A_68 = arith.muli %add3A_54, %mul3A_67 : i32
      %add3A_69 = arith.addi %mul3A_6, %mul3A_68 : i32
      %dma_start3A_70 = arith.constant 1 : i32
      %dma_start3A_71 = arith.constant 0 : i32
      %dma_start3A_72 = arith.constant 0 : i32
      %dma_start3A_73 = tpu.memref_slice %arg8[%dma_start3A_70, %dma_start3A_71, %dma_start3A_72] : memref<2x128x128xf32, #tpu.memory_space<vmem>> -> memref<1x128x128xf32, #tpu.memory_space<vmem>>
      %dma_start3A_74 = tpu.memref_squeeze %dma_start3A_73 : memref<1x128x128xf32, #tpu.memory_space<vmem>> -> memref<128x128xf32, #tpu.memory_space<vmem>>
      %dma_start3A_75 = arith.constant 0 : i32
      %dma_start3A_76 = tpu.memref_slice %arg2[%add3A_69, %dma_start3A_75] : memref<320000x128xf32, #tpu.memory_space<hbm>> -> memref<128x128xf32, #tpu.memory_space<hbm>>
      %dma_start3A_77 = arith.constant 0 : i32
      %dma_start3A_78 = arith.constant 0 : i32
      %dma_start3A_79 = tpu.memref_slice %arg8[%dma_start3A_70, %dma_start3A_77, %dma_start3A_78] : memref<2x128x128xf32, #tpu.memory_space<vmem>> -> memref<1x128x128xf32, #tpu.memory_space<vmem>>
      %dma_start3A_80 = tpu.memref_squeeze %dma_start3A_79 : memref<1x128x128xf32, #tpu.memory_space<vmem>> -> memref<128x128xf32, #tpu.memory_space<vmem>>
      %dma_start3A_81 = arith.constant 0 : i32
      %dma_start3A_82 = tpu.memref_slice %arg2[%add3A_69, %dma_start3A_81] : memref<320000x128xf32, #tpu.memory_space<hbm>> -> memref<128x128xf32, #tpu.memory_space<hbm>>
      tpu.enqueue_dma source(%dma_start3A_82 : memref<128x128xf32, #tpu.memory_space<hbm>>) target(%dma_start3A_80 : memref<128x128xf32, #tpu.memory_space<vmem>>) target_semaphore(%arg10 : memref<!tpu.dma_semaphore, #tpu.memory_space<semaphore_mem>>)
      %mul3A_83 = arith.constant 2 : i32
      %mul3A_84 = arith.muli %mul3A_83, %scan3A_49 : i32
      %mul3A_85 = arith.constant 128 : i32
      %mul3A_86 = arith.muli %mul3A_84, %mul3A_85 : i32
      %add3A_87 = arith.addi %add3A_8, %mul3A_86 : i32
      %dma_wait3A = arith.constant 0 : i32
      %dma_wait3A_88 = arith.constant 0 : i32
      %dma_wait3A_89 = tpu.memref_slice %arg7[%dma_wait3A, %dma_wait3A_88] : memref<2x128xi32, #tpu.memory_space<vmem>> -> memref<1x128xi32, #tpu.memory_space<vmem>>
      %dma_wait3A_90 = tpu.memref_squeeze %dma_wait3A_89 : memref<1x128xi32, #tpu.memory_space<vmem>> -> memref<128xi32, #tpu.memory_space<vmem>>
      %dma_wait3A_91 = tpu.memref_slice %arg3[%add3A_87] : memref<320000xi32, #tpu.memory_space<hbm>> -> memref<128xi32, #tpu.memory_space<hbm>>
      %dma_wait3A_92 = arith.constant 0 : i32
      %dma_wait3A_93 = tpu.memref_slice %arg7[%dma_wait3A, %dma_wait3A_92] : memref<2x128xi32, #tpu.memory_space<vmem>> -> memref<1x128xi32, #tpu.memory_space<vmem>>
      %dma_wait3A_94 = tpu.memref_squeeze %dma_wait3A_93 : memref<1x128xi32, #tpu.memory_space<vmem>> -> memref<128xi32, #tpu.memory_space<vmem>>
      %dma_wait3A_95 = tpu.memref_slice %arg3[%add3A_87] : memref<320000xi32, #tpu.memory_space<hbm>> -> memref<128xi32, #tpu.memory_space<hbm>>
      tpu.wait_dma2 semaphore(%arg9 : memref<!tpu.dma_semaphore, #tpu.memory_space<semaphore_mem>>) src(%dma_wait3A_95 : memref<128xi32, #tpu.memory_space<hbm>>) dst(%dma_wait3A_94 : memref<128xi32, #tpu.memory_space<vmem>>)
      %mul3A_96 = arith.constant 128 : i32
      %mul3A_97 = arith.muli %mul3A_84, %mul3A_96 : i32
      %add3A_98 = arith.addi %mul3A_6, %mul3A_97 : i32
      %dma_wait3A_99 = arith.constant 0 : i32
      %dma_wait3A_100 = arith.constant 0 : i32
      %dma_wait3A_101 = arith.constant 0 : i32
      %dma_wait3A_102 = tpu.memref_slice %arg8[%dma_wait3A_99, %dma_wait3A_100, %dma_wait3A_101] : memref<2x128x128xf32, #tpu.memory_space<vmem>> -> memref<1x128x128xf32, #tpu.memory_space<vmem>>
      %dma_wait3A_103 = tpu.memref_squeeze %dma_wait3A_102 : memref<1x128x128xf32, #tpu.memory_space<vmem>> -> memref<128x128xf32, #tpu.memory_space<vmem>>
      %dma_wait3A_104 = arith.constant 0 : i32
      %dma_wait3A_105 = tpu.memref_slice %arg2[%add3A_98, %dma_wait3A_104] : memref<320000x128xf32, #tpu.memory_space<hbm>> -> memref<128x128xf32, #tpu.memory_space<hbm>>
      %dma_wait3A_106 = arith.constant 0 : i32
      %dma_wait3A_107 = arith.constant 0 : i32
      %dma_wait3A_108 = tpu.memref_slice %arg8[%dma_wait3A_99, %dma_wait3A_106, %dma_wait3A_107] : memref<2x128x128xf32, #tpu.memory_space<vmem>> -> memref<1x128x128xf32, #tpu.memory_space<vmem>>
      %dma_wait3A_109 = tpu.memref_squeeze %dma_wait3A_108 : memref<1x128x128xf32, #tpu.memory_space<vmem>> -> memref<128x128xf32, #tpu.memory_space<vmem>>
      %dma_wait3A_110 = arith.constant 0 : i32
      %dma_wait3A_111 = tpu.memref_slice %arg2[%add3A_98, %dma_wait3A_110] : memref<320000x128xf32, #tpu.memory_space<hbm>> -> memref<128x128xf32, #tpu.memory_space<hbm>>
      tpu.wait_dma2 semaphore(%arg9 : memref<!tpu.dma_semaphore, #tpu.memory_space<semaphore_mem>>) src(%dma_wait3A_111 : memref<128x128xf32, #tpu.memory_space<hbm>>) dst(%dma_wait3A_109 : memref<128x128xf32, #tpu.memory_space<vmem>>)
      %run_scoped3A = arith.constant 0 : i32
      %run_scoped3A_112 = arith.constant 0 : i32
      "tpu.region"() ({
        %run_scoped3A_154 = tpu.sem_alloc : memref<!tpu.dma_semaphore, #tpu.memory_space<semaphore_mem>>
        %dma_start3A_155 = arith.constant 0 : i32
        %dma_start3A_156 = arith.constant 0 : i32
        %dma_start3A_157 = tpu.memref_slice %arg8[%run_scoped3A, %dma_start3A_155, %dma_start3A_156] : memref<2x128x128xf32, #tpu.memory_space<vmem>> -> memref<1x128x128xf32, #tpu.memory_space<vmem>>
        %dma_start3A_158 = tpu.memref_squeeze %dma_start3A_157 : memref<1x128x128xf32, #tpu.memory_space<vmem>> -> memref<128x128xf32, #tpu.memory_space<vmem>>
        %dma_start3A_159 = arith.constant 0 : i32
        %dma_start3A_160 = tpu.memref_slice %arg7[%run_scoped3A_112, %dma_start3A_159] : memref<2x128xi32, #tpu.memory_space<vmem>> -> memref<1x128xi32, #tpu.memory_space<vmem>>
        %dma_start3A_161 = tpu.memref_squeeze %dma_start3A_160 : memref<1x128xi32, #tpu.memory_space<vmem>> -> memref<128xi32, #tpu.memory_space<vmem>>
        %dma_start3A_162 = arith.constant 0 : i32
        %dma_start3A_163 = arith.constant 0 : i32
        %dma_start3A_164 = tpu.memref_slice %arg6[%dma_start3A_162, %dma_start3A_163] : memref<10240x128xf32, #tpu.memory_space<vmem_shared>> -> memref<10240x128xf32, #tpu.memory_space<vmem_shared>>
        tpu.enqueue_indirect_dma source(%dma_start3A_158 : memref<128x128xf32, #tpu.memory_space<vmem>>) target(%dma_start3A_164 : memref<10240x128xf32, #tpu.memory_space<vmem_shared>>) offsets(%dma_start3A_161 : memref<128xi32, #tpu.memory_space<vmem>>) semaphore(%run_scoped3A_154 : memref<!tpu.dma_semaphore, #tpu.memory_space<semaphore_mem>>) {add = true}
        %dma_wait3A_165 = arith.constant 0 : i32
        %dma_wait3A_166 = arith.constant 0 : i32
        %dma_wait3A_167 = tpu.memref_slice %arg8[%run_scoped3A, %dma_wait3A_165, %dma_wait3A_166] : memref<2x128x128xf32, #tpu.memory_space<vmem>> -> memref<1x128x128xf32, #tpu.memory_space<vmem>>
        %dma_wait3A_168 = tpu.memref_squeeze %dma_wait3A_167 : memref<1x128x128xf32, #tpu.memory_space<vmem>> -> memref<128x128xf32, #tpu.memory_space<vmem>>
        %dma_wait3A_169 = arith.constant 0 : i32
        %dma_wait3A_170 = tpu.memref_slice %arg7[%run_scoped3A_112, %dma_wait3A_169] : memref<2x128xi32, #tpu.memory_space<vmem>> -> memref<1x128xi32, #tpu.memory_space<vmem>>
        %dma_wait3A_171 = tpu.memref_squeeze %dma_wait3A_170 : memref<1x128xi32, #tpu.memory_space<vmem>> -> memref<128xi32, #tpu.memory_space<vmem>>
        %dma_wait3A_172 = arith.constant 0 : i32
        %dma_wait3A_173 = arith.constant 0 : i32
        %dma_wait3A_174 = tpu.memref_slice %arg6[%dma_wait3A_172, %dma_wait3A_173] : memref<10240x128xf32, #tpu.memory_space<vmem_shared>> -> memref<10240x128xf32, #tpu.memory_space<vmem_shared>>
        tpu.wait_indirect_dma semaphore(%run_scoped3A_154 : memref<!tpu.dma_semaphore, #tpu.memory_space<semaphore_mem>>) src(%dma_wait3A_168 : memref<128x128xf32, #tpu.memory_space<vmem>>) dst(%dma_wait3A_174 : memref<10240x128xf32, #tpu.memory_space<vmem_shared>>)
        tpu.yield
      }) : () -> ()
      %mul3A_113 = arith.constant 2 : i32
      %mul3A_114 = arith.muli %mul3A_113, %scan3A_49 : i32
      %add3A_115 = arith.constant 2 : i32
      %add3A_116 = arith.addi %mul3A_114, %add3A_115 : i32
      %lt3A = arith.constant 78 : i32
      %lt3A_117 = arith.cmpi slt, %add3A_116, %lt3A : i32
      %convert_element_type3A = arith.extui %lt3A_117 : i1 to i32
      %cond3A = arith.constant 0 : i32
      %cond3A_118 = arith.cmpi ne, %convert_element_type3A, %cond3A : i32
      scf.if %cond3A_118 {
        %mul3A_154 = arith.constant 2 : i32
        %mul3A_155 = arith.muli %mul3A_154, %scan3A_49 : i32
        %add3A_156 = arith.constant 2 : i32
        %add3A_157 = arith.addi %mul3A_155, %add3A_156 : i32
        %mul3A_158 = arith.constant 128 : i32
        %mul3A_159 = arith.muli %add3A_157, %mul3A_158 : i32
        %add3A_160 = arith.addi %add3A_8, %mul3A_159 : i32
        %dma_start3A_161 = arith.constant 0 : i32
        %dma_start3A_162 = arith.constant 0 : i32
        %dma_start3A_163 = tpu.memref_slice %arg7[%dma_start3A_161, %dma_start3A_162] : memref<2x128xi32, #tpu.memory_space<vmem>> -> memref<1x128xi32, #tpu.memory_space<vmem>>
        %dma_start3A_164 = tpu.memref_squeeze %dma_start3A_163 : memref<1x128xi32, #tpu.memory_space<vmem>> -> memref<128xi32, #tpu.memory_space<vmem>>
        %dma_start3A_165 = tpu.memref_slice %arg3[%add3A_160] : memref<320000xi32, #tpu.memory_space<hbm>> -> memref<128xi32, #tpu.memory_space<hbm>>
        %dma_start3A_166 = arith.constant 0 : i32
        %dma_start3A_167 = tpu.memref_slice %arg7[%dma_start3A_161, %dma_start3A_166] : memref<2x128xi32, #tpu.memory_space<vmem>> -> memref<1x128xi32, #tpu.memory_space<vmem>>
        %dma_start3A_168 = tpu.memref_squeeze %dma_start3A_167 : memref<1x128xi32, #tpu.memory_space<vmem>> -> memref<128xi32, #tpu.memory_space<vmem>>
        %dma_start3A_169 = tpu.memref_slice %arg3[%add3A_160] : memref<320000xi32, #tpu.memory_space<hbm>> -> memref<128xi32, #tpu.memory_space<hbm>>
        tpu.enqueue_dma source(%dma_start3A_169 : memref<128xi32, #tpu.memory_space<hbm>>) target(%dma_start3A_168 : memref<128xi32, #tpu.memory_space<vmem>>) target_semaphore(%arg9 : memref<!tpu.dma_semaphore, #tpu.memory_space<semaphore_mem>>)
        %mul3A_170 = arith.constant 128 : i32
        %mul3A_171 = arith.muli %add3A_157, %mul3A_170 : i32
        %add3A_172 = arith.addi %mul3A_6, %mul3A_171 : i32
        %dma_start3A_173 = arith.constant 0 : i32
        %dma_start3A_174 = arith.constant 0 : i32
        %dma_start3A_175 = arith.constant 0 : i32
        %dma_start3A_176 = tpu.memref_slice %arg8[%dma_start3A_173, %dma_start3A_174, %dma_start3A_175] : memref<2x128x128xf32, #tpu.memory_space<vmem>> -> memref<1x128x128xf32, #tpu.memory_space<vmem>>
        %dma_start3A_177 = tpu.memref_squeeze %dma_start3A_176 : memref<1x128x128xf32, #tpu.memory_space<vmem>> -> memref<128x128xf32, #tpu.memory_space<vmem>>
        %dma_start3A_178 = arith.constant 0 : i32
        %dma_start3A_179 = tpu.memref_slice %arg2[%add3A_172, %dma_start3A_178] : memref<320000x128xf32, #tpu.memory_space<hbm>> -> memref<128x128xf32, #tpu.memory_space<hbm>>
        %dma_start3A_180 = arith.constant 0 : i32
        %dma_start3A_181 = arith.constant 0 : i32
        %dma_start3A_182 = tpu.memref_slice %arg8[%dma_start3A_173, %dma_start3A_180, %dma_start3A_181] : memref<2x128x128xf32, #tpu.memory_space<vmem>> -> memref<1x128x128xf32, #tpu.memory_space<vmem>>
        %dma_start3A_183 = tpu.memref_squeeze %dma_start3A_182 : memref<1x128x128xf32, #tpu.memory_space<vmem>> -> memref<128x128xf32, #tpu.memory_space<vmem>>
        %dma_start3A_184 = arith.constant 0 : i32
        %dma_start3A_185 = tpu.memref_slice %arg2[%add3A_172, %dma_start3A_184] : memref<320000x128xf32, #tpu.memory_space<hbm>> -> memref<128x128xf32, #tpu.memory_space<hbm>>
        tpu.enqueue_dma source(%dma_start3A_185 : memref<128x128xf32, #tpu.memory_space<hbm>>) target(%dma_start3A_183 : memref<128x128xf32, #tpu.memory_space<vmem>>) target_semaphore(%arg9 : memref<!tpu.dma_semaphore, #tpu.memory_space<semaphore_mem>>)
      } else {
      }
      %mul3A_119 = arith.constant 2 : i32
      %mul3A_120 = arith.muli %mul3A_119, %scan3A_49 : i32
      %add3A_121 = arith.constant 1 : i32
      %add3A_122 = arith.addi %mul3A_120, %add3A_121 : i32
      %mul3A_123 = arith.constant 128 : i32
      %mul3A_124 = arith.muli %add3A_122, %mul3A_123 : i32
      %add3A_125 = arith.addi %add3A_8, %mul3A_124 : i32
      %dma_wait3A_126 = arith.constant 1 : i32
      %dma_wait3A_127 = arith.constant 0 : i32
      %dma_wait3A_128 = tpu.memref_slice %arg7[%dma_wait3A_126, %dma_wait3A_127] : memref<2x128xi32, #tpu.memory_space<vmem>> -> memref<1x128xi32, #tpu.memory_space<vmem>>
      %dma_wait3A_129 = tpu.memref_squeeze %dma_wait3A_128 : memref<1x128xi32, #tpu.memory_space<vmem>> -> memref<128xi32, #tpu.memory_space<vmem>>
      %dma_wait3A_130 = tpu.memref_slice %arg3[%add3A_125] : memref<320000xi32, #tpu.memory_space<hbm>> -> memref<128xi32, #tpu.memory_space<hbm>>
      %dma_wait3A_131 = arith.constant 0 : i32
      %dma_wait3A_132 = tpu.memref_slice %arg7[%dma_wait3A_126, %dma_wait3A_131] : memref<2x128xi32, #tpu.memory_space<vmem>> -> memref<1x128xi32, #tpu.memory_space<vmem>>
      %dma_wait3A_133 = tpu.memref_squeeze %dma_wait3A_132 : memref<1x128xi32, #tpu.memory_space<vmem>> -> memref<128xi32, #tpu.memory_space<vmem>>
      %dma_wait3A_134 = tpu.memref_slice %arg3[%add3A_125] : memref<320000xi32, #tpu.memory_space<hbm>> -> memref<128xi32, #tpu.memory_space<hbm>>
      tpu.wait_dma2 semaphore(%arg10 : memref<!tpu.dma_semaphore, #tpu.memory_space<semaphore_mem>>) src(%dma_wait3A_134 : memref<128xi32, #tpu.memory_space<hbm>>) dst(%dma_wait3A_133 : memref<128xi32, #tpu.memory_space<vmem>>)
      %mul3A_135 = arith.constant 128 : i32
      %mul3A_136 = arith.muli %add3A_122, %mul3A_135 : i32
      %add3A_137 = arith.addi %mul3A_6, %mul3A_136 : i32
      %dma_wait3A_138 = arith.constant 1 : i32
      %dma_wait3A_139 = arith.constant 0 : i32
      %dma_wait3A_140 = arith.constant 0 : i32
      %dma_wait3A_141 = tpu.memref_slice %arg8[%dma_wait3A_138, %dma_wait3A_139, %dma_wait3A_140] : memref<2x128x128xf32, #tpu.memory_space<vmem>> -> memref<1x128x128xf32, #tpu.memory_space<vmem>>
      %dma_wait3A_142 = tpu.memref_squeeze %dma_wait3A_141 : memref<1x128x128xf32, #tpu.memory_space<vmem>> -> memref<128x128xf32, #tpu.memory_space<vmem>>
      %dma_wait3A_143 = arith.constant 0 : i32
      %dma_wait3A_144 = tpu.memref_slice %arg2[%add3A_137, %dma_wait3A_143] : memref<320000x128xf32, #tpu.memory_space<hbm>> -> memref<128x128xf32, #tpu.memory_space<hbm>>
      %dma_wait3A_145 = arith.constant 0 : i32
      %dma_wait3A_146 = arith.constant 0 : i32
      %dma_wait3A_147 = tpu.memref_slice %arg8[%dma_wait3A_138, %dma_wait3A_145, %dma_wait3A_146] : memref<2x128x128xf32, #tpu.memory_space<vmem>> -> memref<1x128x128xf32, #tpu.memory_space<vmem>>
      %dma_wait3A_148 = tpu.memref_squeeze %dma_wait3A_147 : memref<1x128x128xf32, #tpu.memory_space<vmem>> -> memref<128x128xf32, #tpu.memory_space<vmem>>
      %dma_wait3A_149 = arith.constant 0 : i32
      %dma_wait3A_150 = tpu.memref_slice %arg2[%add3A_137, %dma_wait3A_149] : memref<320000x128xf32, #tpu.memory_space<hbm>> -> memref<128x128xf32, #tpu.memory_space<hbm>>
      tpu.wait_dma2 semaphore(%arg10 : memref<!tpu.dma_semaphore, #tpu.memory_space<semaphore_mem>>) src(%dma_wait3A_150 : memref<128x128xf32, #tpu.memory_space<hbm>>) dst(%dma_wait3A_148 : memref<128x128xf32, #tpu.memory_space<vmem>>)
      %run_scoped3A_151 = arith.constant 1 : i32
      %run_scoped3A_152 = arith.constant 1 : i32
      "tpu.region"() ({
        %run_scoped3A_154 = tpu.sem_alloc : memref<!tpu.dma_semaphore, #tpu.memory_space<semaphore_mem>>
        %dma_start3A_155 = arith.constant 0 : i32
        %dma_start3A_156 = arith.constant 0 : i32
        %dma_start3A_157 = tpu.memref_slice %arg8[%run_scoped3A_151, %dma_start3A_155, %dma_start3A_156] : memref<2x128x128xf32, #tpu.memory_space<vmem>> -> memref<1x128x128xf32, #tpu.memory_space<vmem>>
        %dma_start3A_158 = tpu.memref_squeeze %dma_start3A_157 : memref<1x128x128xf32, #tpu.memory_space<vmem>> -> memref<128x128xf32, #tpu.memory_space<vmem>>
        %dma_start3A_159 = arith.constant 0 : i32
        %dma_start3A_160 = tpu.memref_slice %arg7[%run_scoped3A_152, %dma_start3A_159] : memref<2x128xi32, #tpu.memory_space<vmem>> -> memref<1x128xi32, #tpu.memory_space<vmem>>
        %dma_start3A_161 = tpu.memref_squeeze %dma_start3A_160 : memref<1x128xi32, #tpu.memory_space<vmem>> -> memref<128xi32, #tpu.memory_space<vmem>>
        %dma_start3A_162 = arith.constant 0 : i32
        %dma_start3A_163 = arith.constant 0 : i32
        %dma_start3A_164 = tpu.memref_slice %arg6[%dma_start3A_162, %dma_start3A_163] : memref<10240x128xf32, #tpu.memory_space<vmem_shared>> -> memref<10240x128xf32, #tpu.memory_space<vmem_shared>>
        tpu.enqueue_indirect_dma source(%dma_start3A_158 : memref<128x128xf32, #tpu.memory_space<vmem>>) target(%dma_start3A_164 : memref<10240x128xf32, #tpu.memory_space<vmem_shared>>) offsets(%dma_start3A_161 : memref<128xi32, #tpu.memory_space<vmem>>) semaphore(%run_scoped3A_154 : memref<!tpu.dma_semaphore, #tpu.memory_space<semaphore_mem>>) {add = true}
        %dma_wait3A_165 = arith.constant 0 : i32
        %dma_wait3A_166 = arith.constant 0 : i32
        %dma_wait3A_167 = tpu.memref_slice %arg8[%run_scoped3A_151, %dma_wait3A_165, %dma_wait3A_166] : memref<2x128x128xf32, #tpu.memory_space<vmem>> -> memref<1x128x128xf32, #tpu.memory_space<vmem>>
        %dma_wait3A_168 = tpu.memref_squeeze %dma_wait3A_167 : memref<1x128x128xf32, #tpu.memory_space<vmem>> -> memref<128x128xf32, #tpu.memory_space<vmem>>
        %dma_wait3A_169 = arith.constant 0 : i32
        %dma_wait3A_170 = tpu.memref_slice %arg7[%run_scoped3A_152, %dma_wait3A_169] : memref<2x128xi32, #tpu.memory_space<vmem>> -> memref<1x128xi32, #tpu.memory_space<vmem>>
        %dma_wait3A_171 = tpu.memref_squeeze %dma_wait3A_170 : memref<1x128xi32, #tpu.memory_space<vmem>> -> memref<128xi32, #tpu.memory_space<vmem>>
        %dma_wait3A_172 = arith.constant 0 : i32
        %dma_wait3A_173 = arith.constant 0 : i32
        %dma_wait3A_174 = tpu.memref_slice %arg6[%dma_wait3A_172, %dma_wait3A_173] : memref<10240x128xf32, #tpu.memory_space<vmem_shared>> -> memref<10240x128xf32, #tpu.memory_space<vmem_shared>>
        tpu.wait_indirect_dma semaphore(%run_scoped3A_154 : memref<!tpu.dma_semaphore, #tpu.memory_space<semaphore_mem>>) src(%dma_wait3A_168 : memref<128x128xf32, #tpu.memory_space<vmem>>) dst(%dma_wait3A_174 : memref<10240x128xf32, #tpu.memory_space<vmem_shared>>)
        tpu.yield
      }) : () -> ()
      %scan3A_153 = arith.constant 0 : i32
      scf.yield %scan3A_153 : i32
    }
    %scan3A_39 = arith.constant 39 : i32
    %add3A_40 = arith.constant 9984 : i32
    %add3A_41 = arith.addi %add3A_8, %add3A_40 : i32
    "tpu.region"() ({
      %run_scoped3A = tpu.sem_alloc : memref<!tpu.dma_semaphore, #tpu.memory_space<semaphore_mem>>
      %dma_start3A_49 = tpu.memref_slice %arg3[%add3A_41] : memref<320000xi32, #tpu.memory_space<hbm>> -> memref<16xi32, #tpu.memory_space<hbm>>
      %dma_start3A_50 = tpu.memref_slice %arg3[%add3A_41] : memref<320000xi32, #tpu.memory_space<hbm>> -> memref<16xi32, #tpu.memory_space<hbm>>
      tpu.enqueue_dma source(%dma_start3A_50 : memref<16xi32, #tpu.memory_space<hbm>>) target(%arg11 : memref<16xi32, #tpu.memory_space<vmem>>) target_semaphore(%run_scoped3A : memref<!tpu.dma_semaphore, #tpu.memory_space<semaphore_mem>>)
      %dma_wait3A = tpu.memref_slice %arg3[%add3A_41] : memref<320000xi32, #tpu.memory_space<hbm>> -> memref<16xi32, #tpu.memory_space<hbm>>
      %dma_wait3A_51 = tpu.memref_slice %arg3[%add3A_41] : memref<320000xi32, #tpu.memory_space<hbm>> -> memref<16xi32, #tpu.memory_space<hbm>>
      tpu.wait_dma2 semaphore(%run_scoped3A : memref<!tpu.dma_semaphore, #tpu.memory_space<semaphore_mem>>) src(%dma_wait3A_51 : memref<16xi32, #tpu.memory_space<hbm>>) dst(%arg11 : memref<16xi32, #tpu.memory_space<vmem>>)
      tpu.yield
    }) : () -> ()
    %add3A_42 = arith.constant 9984 : i32
    %add3A_43 = arith.addi %mul3A_6, %add3A_42 : i32
    "tpu.region"() ({
      %run_scoped3A = tpu.sem_alloc : memref<!tpu.dma_semaphore, #tpu.memory_space<semaphore_mem>>
      %dma_start3A_49 = arith.constant 0 : i32
      %dma_start3A_50 = tpu.memref_slice %arg2[%add3A_43, %dma_start3A_49] : memref<320000x128xf32, #tpu.memory_space<hbm>> -> memref<16x128xf32, #tpu.memory_space<hbm>>
      %dma_start3A_51 = arith.constant 0 : i32
      %dma_start3A_52 = tpu.memref_slice %arg2[%add3A_43, %dma_start3A_51] : memref<320000x128xf32, #tpu.memory_space<hbm>> -> memref<16x128xf32, #tpu.memory_space<hbm>>
      tpu.enqueue_dma source(%dma_start3A_52 : memref<16x128xf32, #tpu.memory_space<hbm>>) target(%arg12 : memref<16x128xf32, #tpu.memory_space<vmem>>) target_semaphore(%run_scoped3A : memref<!tpu.dma_semaphore, #tpu.memory_space<semaphore_mem>>)
      %dma_wait3A = arith.constant 0 : i32
      %dma_wait3A_53 = tpu.memref_slice %arg2[%add3A_43, %dma_wait3A] : memref<320000x128xf32, #tpu.memory_space<hbm>> -> memref<16x128xf32, #tpu.memory_space<hbm>>
      %dma_wait3A_54 = arith.constant 0 : i32
      %dma_wait3A_55 = tpu.memref_slice %arg2[%add3A_43, %dma_wait3A_54] : memref<320000x128xf32, #tpu.memory_space<hbm>> -> memref<16x128xf32, #tpu.memory_space<hbm>>
      tpu.wait_dma2 semaphore(%run_scoped3A : memref<!tpu.dma_semaphore, #tpu.memory_space<semaphore_mem>>) src(%dma_wait3A_55 : memref<16x128xf32, #tpu.memory_space<hbm>>) dst(%arg12 : memref<16x128xf32, #tpu.memory_space<vmem>>)
      tpu.yield
    }) : () -> ()
    "tpu.region"() ({
      %run_scoped3A = tpu.sem_alloc : memref<!tpu.dma_semaphore, #tpu.memory_space<semaphore_mem>>
      %dma_start3A_49 = arith.constant 0 : i32
      %dma_start3A_50 = arith.constant 0 : i32
      %dma_start3A_51 = tpu.memref_slice %arg6[%dma_start3A_49, %dma_start3A_50] : memref<10240x128xf32, #tpu.memory_space<vmem_shared>> -> memref<10240x128xf32, #tpu.memory_space<vmem_shared>>
      tpu.enqueue_indirect_dma source(%arg12 : memref<16x128xf32, #tpu.memory_space<vmem>>) target(%dma_start3A_51 : memref<10240x128xf32, #tpu.memory_space<vmem_shared>>) offsets(%arg11 : memref<16xi32, #tpu.memory_space<vmem>>) semaphore(%run_scoped3A : memref<!tpu.dma_semaphore, #tpu.memory_space<semaphore_mem>>) {add = true}
      %dma_wait3A = arith.constant 0 : i32
      %dma_wait3A_52 = arith.constant 0 : i32
      %dma_wait3A_53 = tpu.memref_slice %arg6[%dma_wait3A, %dma_wait3A_52] : memref<10240x128xf32, #tpu.memory_space<vmem_shared>> -> memref<10240x128xf32, #tpu.memory_space<vmem_shared>>
      tpu.wait_indirect_dma semaphore(%run_scoped3A : memref<!tpu.dma_semaphore, #tpu.memory_space<semaphore_mem>>) src(%arg12 : memref<16x128xf32, #tpu.memory_space<vmem>>) dst(%dma_wait3A_53 : memref<10240x128xf32, #tpu.memory_space<vmem_shared>>)
      tpu.yield
    }) : () -> ()
    %barrier3A_44 = arith.constant 0 : index
    tpu.barrier barrier_id(%barrier3A_44)
    %mul3A_45 = arith.constant 640 : i32
    %mul3A_46 = arith.muli %arg1, %mul3A_45 : i32
    %mul3A_47 = arith.constant 640 : i32
    %mul3A_48 = arith.muli %arg1, %mul3A_47 : i32
    "tpu.region"() ({
      %run_scoped3A = tpu.sem_alloc : memref<!tpu.dma_semaphore, #tpu.memory_space<semaphore_mem>>
      %dma_start3A_49 = arith.constant 0 : i32
      %dma_start3A_50 = arith.constant 0 : i32
      %dma_start3A_51 = tpu.memref_slice %arg5[%arg0, %dma_start3A_49, %dma_start3A_50] : memref<2x10240x128xf32, #tpu.memory_space<hbm>> -> memref<1x10240x128xf32, #tpu.memory_space<hbm>>
      %dma_start3A_52 = tpu.memref_squeeze %dma_start3A_51 : memref<1x10240x128xf32, #tpu.memory_space<hbm>> -> memref<10240x128xf32, #tpu.memory_space<hbm>>
      %dma_start3A_53 = arith.constant 0 : i32
      %dma_start3A_54 = tpu.memref_slice %dma_start3A_52[%mul3A_48, %dma_start3A_53] : memref<10240x128xf32, #tpu.memory_space<hbm>> -> memref<640x128xf32, #tpu.memory_space<hbm>>
      %dma_start3A_55 = arith.constant 0 : i32
      %dma_start3A_56 = tpu.memref_slice %arg6[%mul3A_46, %dma_start3A_55] : memref<10240x128xf32, #tpu.memory_space<vmem_shared>> -> memref<640x128xf32, #tpu.memory_space<vmem_shared>>
      tpu.enqueue_dma source(%dma_start3A_56 : memref<640x128xf32, #tpu.memory_space<vmem_shared>>) target(%dma_start3A_54 : memref<640x128xf32, #tpu.memory_space<hbm>>) target_semaphore(%run_scoped3A : memref<!tpu.dma_semaphore, #tpu.memory_space<semaphore_mem>>)
      %dma_wait3A = arith.constant 0 : i32
      %dma_wait3A_57 = arith.constant 0 : i32
      %dma_wait3A_58 = tpu.memref_slice %arg5[%arg0, %dma_wait3A, %dma_wait3A_57] : memref<2x10240x128xf32, #tpu.memory_space<hbm>> -> memref<1x10240x128xf32, #tpu.memory_space<hbm>>
      %dma_wait3A_59 = tpu.memref_squeeze %dma_wait3A_58 : memref<1x10240x128xf32, #tpu.memory_space<hbm>> -> memref<10240x128xf32, #tpu.memory_space<hbm>>
      %dma_wait3A_60 = arith.constant 0 : i32
      %dma_wait3A_61 = tpu.memref_slice %dma_wait3A_59[%mul3A_48, %dma_wait3A_60] : memref<10240x128xf32, #tpu.memory_space<hbm>> -> memref<640x128xf32, #tpu.memory_space<hbm>>
      %dma_wait3A_62 = arith.constant 0 : i32
      %dma_wait3A_63 = tpu.memref_slice %arg6[%mul3A_46, %dma_wait3A_62] : memref<10240x128xf32, #tpu.memory_space<vmem_shared>> -> memref<640x128xf32, #tpu.memory_space<vmem_shared>>
      tpu.wait_dma2 semaphore(%run_scoped3A : memref<!tpu.dma_semaphore, #tpu.memory_space<semaphore_mem>>) src(%dma_wait3A_63 : memref<640x128xf32, #tpu.memory_space<vmem_shared>>) dst(%dma_wait3A_61 : memref<640x128xf32, #tpu.memory_space<hbm>>)
      tpu.yield
    }) : () -> ()
    return
  }
}

module attributes {stable_mosaic.version = 14 : i64} {
  func.func @_edge_mlp_body(%arg0: i32, %arg1: memref<4000x1xf32, #tpu.memory_space<vmem>>, %arg2: memref<1xf32, #tpu.memory_space<smem>>, %arg3: memref<4000x64xf32, #tpu.memory_space<vmem>>, %arg4: memref<4000x64xf32, #tpu.memory_space<vmem>>, %arg5: memref<4000x128xf32, #tpu.memory_space<vmem>>, %arg6: memref<4000x128xf32, #tpu.memory_space<vmem>>, %arg7: memref<64x128xf32, #tpu.memory_space<vmem>>, %arg8: memref<64x128xf32, #tpu.memory_space<vmem>>, %arg9: memref<64x64xf32, #tpu.memory_space<vmem>>, %arg10: memref<384x256xbf16, #tpu.memory_space<vmem>>, %arg11: memref<4000x128xf32, #tpu.memory_space<vmem>>) attributes {dimension_semantics = [#tpu.dimension_semantics<arbitrary>], iteration_bounds = array<i64: 80>, scalar_prefetch = 0 : i64, scratch_operands = 0 : i64, tpu.core_type = #tpu.core_type<tc>, window_params = [{transform_indices = @transform_0, window_bounds = array<i64: 4000, 1>}, {transform_indices = @transform_1, window_bounds = array<i64: 1>}, {transform_indices = @transform_2, window_bounds = array<i64: 4000, 64>}, {transform_indices = @transform_3, window_bounds = array<i64: 4000, 64>}, {transform_indices = @transform_4, window_bounds = array<i64: 4000, 128>}, {transform_indices = @transform_5, window_bounds = array<i64: 4000, 128>}, {pipeline_mode = #tpu.pipeline_mode<synchronous>, transform_indices = @transform_6, window_bounds = array<i64: 64, 128>}, {pipeline_mode = #tpu.pipeline_mode<synchronous>, transform_indices = @transform_7, window_bounds = array<i64: 64, 128>}, {pipeline_mode = #tpu.pipeline_mode<synchronous>, transform_indices = @transform_8, window_bounds = array<i64: 64, 64>}, {pipeline_mode = #tpu.pipeline_mode<synchronous>, transform_indices = @transform_9, window_bounds = array<i64: 384, 256>}, {transform_indices = @transform_10, window_bounds = array<i64: 4000, 128>}]} {
    %get3A = arith.constant 0 : index
    %get3A_0 = arith.constant 0 : index
    %get3A_1 = vector.load %arg5[%get3A, %get3A_0] : memref<4000x128xf32, #tpu.memory_space<vmem>>, vector<4000x128xf32>
    %get3A_2 = arith.constant 0 : index
    %get3A_3 = arith.constant 0 : index
    %get3A_4 = vector.load %arg6[%get3A_2, %get3A_3] : memref<4000x128xf32, #tpu.memory_space<vmem>>, vector<4000x128xf32>
    %get3A_5 = arith.constant 0 : index
    %get3A_6 = arith.constant 0 : index
    %get3A_7 = vector.load %arg1[%get3A_5, %get3A_6] : memref<4000x1xf32, #tpu.memory_space<vmem>>, vector<4000x1xf32>
    %sub3A = arith.subf %get3A_1, %get3A_4 : vector<4000x128xf32>
    %mul3A = vector.broadcast %get3A_7 : vector<4000x1xf32> to vector<4000x128xf32>
    %mul3A_8 = arith.mulf %sub3A, %mul3A : vector<4000x128xf32>
    %concatenate3A = tpu.concatenate %get3A_1, %get3A_4, %mul3A_8 in 1 : vector<4000x128xf32>, vector<4000x128xf32>, vector<4000x128xf32> -> vector<4000x384xf32>
    %convert_element_type3A = arith.truncf %concatenate3A : vector<4000x384xf32> to vector<4000x384xbf16>
    %get3A_9 = arith.constant 0 : index
    %get3A_10 = arith.constant 0 : index
    %get3A_11 = vector.load %arg10[%get3A_9, %get3A_10] : memref<384x256xbf16, #tpu.memory_space<vmem>>, vector<384x256xbf16>
    %dot_general3A = arith.constant dense<0.000000e+00> : vector<4000x256xf32>
    %dot_general3A_12 = tpu.matmul %convert_element_type3A, %get3A_11, %dot_general3A {dimension_numbers = #tpu.dot_dimension_numbers<[1], [0], [0], [1], [0, 0, 1, 1], [], []>, transpose_lhs_hint = false} : vector<4000x384xbf16>, vector<384x256xbf16>, vector<4000x256xf32> -> vector<4000x256xf32>
    %slice3A = vector.extract_strided_slice %dot_general3A_12 {offsets = [0, 0], sizes = [4000, 128], strides = [1, 1]} : vector<4000x256xf32> to vector<4000x128xf32>
    %neg3A = arith.constant 0.000000e+00 : f32
    %neg3A_13 = vector.broadcast %neg3A : f32 to vector<4000x128xf32>
    %neg3A_14 = arith.subf %neg3A_13, %slice3A : vector<4000x128xf32>
    %exp3A = math.exp %neg3A_14 : vector<4000x128xf32>
    %add3A = arith.constant 1.000000e+00 : f32
    %add3A_15 = vector.broadcast %add3A : f32 to vector<4000x128xf32>
    %add3A_16 = arith.addf %add3A_15, %exp3A : vector<4000x128xf32>
    %div3A = arith.constant 1.000000e+00 : f32
    %div3A_17 = vector.broadcast %div3A : f32 to vector<4000x128xf32>
    %div3A_18 = arith.divf %div3A_17, %add3A_16 : vector<4000x128xf32>
    %slice3A_19 = vector.extract_strided_slice %dot_general3A_12 {offsets = [0, 128], sizes = [4000, 128], strides = [1, 1]} : vector<4000x256xf32> to vector<4000x128xf32>
    %gt3A = arith.constant 0.000000e+00 : f32
    %gt3A_20 = vector.broadcast %gt3A : f32 to vector<4000x128xf32>
    %gt3A_21 = arith.cmpf ogt, %slice3A_19, %gt3A_20 : vector<4000x128xf32>
    %min3A = arith.constant 0.000000e+00 : f32
    %min3A_22 = vector.broadcast %min3A : f32 to vector<4000x128xf32>
    %min3A_23 = arith.minimumf %slice3A_19, %min3A_22 : vector<4000x128xf32>
    %exp3A_24 = math.exp %min3A_23 : vector<4000x128xf32>
    %sub3A_25 = arith.constant 1.000000e+00 : f32
    %sub3A_26 = vector.broadcast %sub3A_25 : f32 to vector<4000x128xf32>
    %sub3A_27 = arith.subf %exp3A_24, %sub3A_26 : vector<4000x128xf32>
    %select_n3A = arith.select %gt3A_21, %slice3A_19, %sub3A_27 : vector<4000x128xi1>, vector<4000x128xf32>
    %get3A_28 = arith.constant 0 : index
    %get3A_29 = arith.constant 0 : index
    %get3A_30 = vector.load %arg4[%get3A_28, %get3A_29] : memref<4000x64xf32, #tpu.memory_space<vmem>>, vector<4000x64xf32>
    %get3A_31 = arith.constant 0 : index
    %get3A_32 = arith.constant 0 : index
    %get3A_33 = vector.load %arg9[%get3A_31, %get3A_32] : memref<64x64xf32, #tpu.memory_space<vmem>>, vector<64x64xf32>
    %dot_general3A_34 = arith.constant dense<0.000000e+00> : vector<4000x64xf32>
    %dot_general3A_35 = tpu.matmul %get3A_30, %get3A_33, %dot_general3A_34 {dimension_numbers = #tpu.dot_dimension_numbers<[1], [0], [0], [1], [0, 0, 1, 1], [], []>, transpose_lhs_hint = false} : vector<4000x64xf32>, vector<64x64xf32>, vector<4000x64xf32> -> vector<4000x64xf32>
    %neg3A_36 = arith.constant 0.000000e+00 : f32
    %neg3A_37 = vector.broadcast %neg3A_36 : f32 to vector<4000x64xf32>
    %neg3A_38 = arith.subf %neg3A_37, %dot_general3A_35 : vector<4000x64xf32>
    %exp3A_39 = math.exp %neg3A_38 : vector<4000x64xf32>
    %add3A_40 = arith.constant 1.000000e+00 : f32
    %add3A_41 = vector.broadcast %add3A_40 : f32 to vector<4000x64xf32>
    %add3A_42 = arith.addf %add3A_41, %exp3A_39 : vector<4000x64xf32>
    %div3A_43 = arith.constant 1.000000e+00 : f32
    %div3A_44 = vector.broadcast %div3A_43 : f32 to vector<4000x64xf32>
    %div3A_45 = arith.divf %div3A_44, %add3A_42 : vector<4000x64xf32>
    %mul3A_46 = arith.mulf %get3A_30, %div3A_45 : vector<4000x64xf32>
    %get3A_47 = arith.constant 0 : index
    %get3A_48 = arith.constant 0 : index
    %get3A_49 = vector.load %arg8[%get3A_47, %get3A_48] : memref<64x128xf32, #tpu.memory_space<vmem>>, vector<64x128xf32>
    %dot_general3A_50 = arith.constant dense<0.000000e+00> : vector<4000x128xf32>
    %dot_general3A_51 = tpu.matmul %mul3A_46, %get3A_49, %dot_general3A_50 {dimension_numbers = #tpu.dot_dimension_numbers<[1], [0], [0], [1], [0, 0, 1, 1], [], []>, transpose_lhs_hint = false} : vector<4000x64xf32>, vector<64x128xf32>, vector<4000x128xf32> -> vector<4000x128xf32>
    %get3A_52 = arith.constant 0 : index
    %get3A_53 = arith.constant 0 : index
    %get3A_54 = vector.load %arg3[%get3A_52, %get3A_53] : memref<4000x64xf32, #tpu.memory_space<vmem>>, vector<4000x64xf32>
    %get3A_55 = arith.constant 0 : index
    %get3A_56 = arith.constant 0 : index
    %get3A_57 = vector.load %arg7[%get3A_55, %get3A_56] : memref<64x128xf32, #tpu.memory_space<vmem>>, vector<64x128xf32>
    %dot_general3A_58 = arith.constant dense<0.000000e+00> : vector<4000x128xf32>
    %dot_general3A_59 = tpu.matmul %get3A_54, %get3A_57, %dot_general3A_58 {dimension_numbers = #tpu.dot_dimension_numbers<[1], [0], [0], [1], [0, 0, 1, 1], [], []>, transpose_lhs_hint = false} : vector<4000x64xf32>, vector<64x128xf32>, vector<4000x128xf32> -> vector<4000x128xf32>
    %get3A_60 = arith.constant 0 : index
    %get3A_61 = memref.load %arg2[%get3A_60] : memref<1xf32, #tpu.memory_space<smem>>
    %gt3A_62 = vector.broadcast %get3A_61 : f32 to vector<4000x1xf32>
    %gt3A_63 = arith.cmpf ogt, %get3A_7, %gt3A_62 : vector<4000x1xf32>
    %convert_element_type3A_64 = arith.extui %gt3A_63 : vector<4000x1xi1> to vector<4000x1xi32>
    %convert_element_type3A_65 = arith.sitofp %convert_element_type3A_64 : vector<4000x1xi32> to vector<4000x1xf32>
    %mul3A_66 = arith.mulf %div3A_18, %select_n3A : vector<4000x128xf32>
    %add3A_67 = arith.addf %dot_general3A_59, %dot_general3A_51 : vector<4000x128xf32>
    %mul3A_68 = arith.mulf %mul3A_66, %add3A_67 : vector<4000x128xf32>
    %mul3A_69 = vector.broadcast %convert_element_type3A_65 : vector<4000x1xf32> to vector<4000x128xf32>
    %mul3A_70 = arith.mulf %mul3A_68, %mul3A_69 : vector<4000x128xf32>
    %swap3A = arith.constant 0 : index
    %swap3A_71 = arith.constant 0 : index
    %swap3A_72 = vector.load %arg11[%swap3A, %swap3A_71] : memref<4000x128xf32, #tpu.memory_space<vmem>>, vector<4000x128xf32>
    tpu.vector_store %arg11[%swap3A, %swap3A_71], %mul3A_70 {strides = array<i32>} : memref<4000x128xf32, #tpu.memory_space<vmem>>, vector<4000x128xf32>,
    return
  }
  func.func @transform_0(%arg0: i32) -> (i32, i32) {
    %add3A = arith.constant 0 : i32
    %add3A_0 = arith.addi %add3A, %arg0 : i32
    %c0_i32 = arith.constant 0 : i32
    %c0_i32_1 = arith.constant 0 : i32
    return %add3A_0, %c0_i32 : i32, i32
  }
  func.func @transform_1(%arg0: i32) -> i32 {
    %c0_i32 = arith.constant 0 : i32
    %c0_i32_0 = arith.constant 0 : i32
    return %c0_i32 : i32
  }
  func.func @transform_2(%arg0: i32) -> (i32, i32) {
    %add3A = arith.constant 0 : i32
    %add3A_0 = arith.addi %add3A, %arg0 : i32
    %c0_i32 = arith.constant 0 : i32
    %c0_i32_1 = arith.constant 0 : i32
    return %add3A_0, %c0_i32 : i32, i32
  }
  func.func @transform_3(%arg0: i32) -> (i32, i32) {
    %add3A = arith.constant 0 : i32
    %add3A_0 = arith.addi %add3A, %arg0 : i32
    %c0_i32 = arith.constant 0 : i32
    %c0_i32_1 = arith.constant 0 : i32
    return %add3A_0, %c0_i32 : i32, i32
  }
  func.func @transform_4(%arg0: i32) -> (i32, i32) {
    %c0_i32 = arith.constant 0 : i32
    %c0_i32_0 = arith.constant 0 : i32
    return %arg0, %c0_i32 : i32, i32
  }
  func.func @transform_5(%arg0: i32) -> (i32, i32) {
    %c0_i32 = arith.constant 0 : i32
    %c0_i32_0 = arith.constant 0 : i32
    return %arg0, %c0_i32 : i32, i32
  }
  func.func @transform_6(%arg0: i32) -> (i32, i32) {
    %c0_i32 = arith.constant 0 : i32
    %c0_i32_0 = arith.constant 0 : i32
    %c0_i32_1 = arith.constant 0 : i32
    return %c0_i32, %c0_i32_0 : i32, i32
  }
  func.func @transform_7(%arg0: i32) -> (i32, i32) {
    %c0_i32 = arith.constant 0 : i32
    %c0_i32_0 = arith.constant 0 : i32
    %c0_i32_1 = arith.constant 0 : i32
    return %c0_i32, %c0_i32_0 : i32, i32
  }
  func.func @transform_8(%arg0: i32) -> (i32, i32) {
    %c0_i32 = arith.constant 0 : i32
    %c0_i32_0 = arith.constant 0 : i32
    %c0_i32_1 = arith.constant 0 : i32
    return %c0_i32, %c0_i32_0 : i32, i32
  }
  func.func @transform_9(%arg0: i32) -> (i32, i32) {
    %c0_i32 = arith.constant 0 : i32
    %c0_i32_0 = arith.constant 0 : i32
    %c0_i32_1 = arith.constant 0 : i32
    return %c0_i32, %c0_i32_0 : i32, i32
  }
  func.func @transform_10(%arg0: i32) -> (i32, i32) {
    %c0_i32 = arith.constant 0 : i32
    %c0_i32_0 = arith.constant 0 : i32
    return %arg0, %c0_i32 : i32, i32
  }
}

module attributes {stable_mosaic.version = 14 : i64} {
  func.func @_combine_body(%arg0: i32, %arg1: memref<1000x128xf32, #tpu.memory_space<vmem>>, %arg2: memref<2x1000x128xf32, #tpu.memory_space<vmem>>, %arg3: memref<1000x128xf32, #tpu.memory_space<vmem>>) attributes {dimension_semantics = [#tpu.dimension_semantics<arbitrary>], iteration_bounds = array<i64: 10>, scalar_prefetch = 0 : i64, scratch_operands = 0 : i64, tpu.core_type = #tpu.core_type<tc>, window_params = [{transform_indices = @transform_0, window_bounds = array<i64: 1000, 128>}, {transform_indices = @transform_1, window_bounds = array<i64: 2, 1000, 128>}, {transform_indices = @transform_2, window_bounds = array<i64: 1000, 128>}]} {
    %get3A = arith.constant 0 : index
    %get3A_0 = arith.constant 0 : index
    %get3A_1 = vector.load %arg1[%get3A, %get3A_0] : memref<1000x128xf32, #tpu.memory_space<vmem>>, vector<1000x128xf32>
    %get3A_2 = arith.constant 0 : index
    %get3A_3 = arith.constant 0 : index
    %get3A_4 = arith.constant 0 : index
    %get3A_5 = vector.load %arg2[%get3A_2, %get3A_3, %get3A_4] : memref<2x1000x128xf32, #tpu.memory_space<vmem>>, vector<1x1000x128xf32>
    %get3A_6 = vector.shape_cast %get3A_5 : vector<1x1000x128xf32> to vector<1000x128xf32>
    %add3A = arith.addf %get3A_1, %get3A_6 : vector<1000x128xf32>
    %get3A_7 = arith.constant 1 : index
    %get3A_8 = arith.constant 0 : index
    %get3A_9 = arith.constant 0 : index
    %get3A_10 = vector.load %arg2[%get3A_7, %get3A_8, %get3A_9] : memref<2x1000x128xf32, #tpu.memory_space<vmem>>, vector<1x1000x128xf32>
    %get3A_11 = vector.shape_cast %get3A_10 : vector<1x1000x128xf32> to vector<1000x128xf32>
    %add3A_12 = arith.addf %add3A, %get3A_11 : vector<1000x128xf32>
    %swap3A = arith.constant 0 : index
    %swap3A_13 = arith.constant 0 : index
    %swap3A_14 = vector.load %arg3[%swap3A, %swap3A_13] : memref<1000x128xf32, #tpu.memory_space<vmem>>, vector<1000x128xf32>
    tpu.vector_store %arg3[%swap3A, %swap3A_13], %add3A_12 {strides = array<i32>} : memref<1000x128xf32, #tpu.memory_space<vmem>>, vector<1000x128xf32>,
    return
  }
  func.func @transform_0(%arg0: i32) -> (i32, i32) {
    %c0_i32 = arith.constant 0 : i32
    %c0_i32_0 = arith.constant 0 : i32
    return %arg0, %c0_i32 : i32, i32
  }
  func.func @transform_1(%arg0: i32) -> (i32, i32, i32) {
    %c0_i32 = arith.constant 0 : i32
    %c0_i32_0 = arith.constant 0 : i32
    %c0_i32_1 = arith.constant 0 : i32
    return %c0_i32, %arg0, %c0_i32_0 : i32, i32, i32
  }
  func.func @transform_2(%arg0: i32) -> (i32, i32) {
    %c0_i32 = arith.constant 0 : i32
    %c0_i32_0 = arith.constant 0 : i32
    return %arg0, %c0_i32 : i32, i32
  }
}

</mosaic_0001>

<sc_bundles>
// kernel: kernel.6.cloned.1.call-start
scs
__scs_entry_jumppad:
0x0: {  	(pc) =	sbr.rel $0x88, $3  }
0x1: {  	(tag) =	ssettag $0x0;
	lr =	simm.s32 $0x1  }
0x2: {  	[smem:$0x3F95] =	sst lr;
	_ =	strace $0xD0000000  }
0x3: {  	_ = 	snop  }
0x4: {  	_ = 	snop  }
0x5: {  	_ = 	snop  }
0x6: {  	_ = 	snop  }
0x7: {  	_ = 	snop  }
__scs_overlays_trampoline_lowered:
0x8: {  	[smem:$0x3FA4] =	sst s0  }
0x9: {  	[smem:$0x3FA5] =	sst s1  }
0xa: {  	[smem:$0x3FA6] =	sst s2  }
0xb: {  	[smem:$0x3FA7] =	sst s3  }
0xc: {  	[smem:$0x3FA8] =	sst s4  }
0xd: {  	[smem:$0x3FA9] =	sst s5  }
0xe: {  	[smem:$0x3FAA] =	sst s6  }
0xf: {  	[smem:$0x3FAB] =	sst s7  }
0x10: {  	[smem:$0x3FAC] =	sst s8  }
0x11: {  	[smem:$0x3FAD] =	sst s9;
	s0 =	simm.s32 @!p0 $0x0  }
0x12: {  	s1 =	sld [smem:$0x3F93];
	s0 =	simm.s32 @p0 $0x1  }
0x13: {  	[smem:$0x3FAE] =	sst s0;
	s0 =	simm.s32 @!p1 $0x0  }
0x14: {  	s2 =	sld [smem:$0x3F92];
	s0 =	simm.s32 @p1 $0x1  }
0x15: {  	[smem:$0x3FAF] =	sst s0;
	s0 =	simm.s32 @!p2 $0x0  }
0x16: {  	s3 =	sld [smem:$0x3FDB];
	s0 =	simm.s32 @p2 $0x1  }
0x17: {  	s4 =	simm.s32 $0x1BF5;
	[smem:$0x3FB1] =	sst s0  }
0x18: {  	s0 =	sld [smem:$0x3F94];
	_ =	swait.ge [sflag:s4], $0x0  }
0x19: {  	s7 =	sld [smem:$0x3F95]  }
0x1a: {  	s8 =	sadd.s32 $0xFFFFE003, lr  }
0x1b: {  	s9 =	sadd.s32 $0xFFFFFEF7, lr;
	s5 =	simm.s32 $0xFFFFFFFF;
	p2 =	slt.u32 s8, $0xFFFFF086  }
0x1c: {  	p1 =	slt.u32 s9, $0xF7A;
	s5 =	simm.s32 @!p2 $0x0  }
0x1d: {  	s5 =	simm.s32 @p1 $0x1;
	p0 =	seq.s32 s7, s2  }
0x1e: {  	s7 =	smul.u32 @!p0 $0xF7A, s2;
	p2 =	seq.s32 @!p0 s5, $0x0  }
0x1f: {  	s9 =	smul.u32 $0xF7A, s1;
	s8 =	simm.s32 @!p0 $0x1BF5;
	p2 =	por !p2, p0  }
0x20: {  	[sflag:s8] =	ssyncset.s32 @!p0 $0xFFFFF086;
	s6 =	sadd.s32 @!p0 s3, s7;
	s7 =	simm.s32 @!p0 $0x108  }
0x21: {  	s3 =	sadd.s32 s3, s9;
	s6 =	sadd.s32 @!p0 $0x88, s6;
	s7 =	simm.s32 @p2 $0x1082  }
0x22: {  	[simem:s7], [sflag:s8] =	dma.local @!p0 [hbm:s6], $0xF7A  }
0x23: {  	s9 =	sor.u32 $0xD0000000, s2;
	s6 =	simm.s32 $0x108;
	_ =	swait.ge @!p0 [sflag:s8], $0x0  }
0x24: {  	s3 =	sadd.s32 $0x88, s3;
	s6 =	simm.s32 @!p1 $0x1082;
	[sflag:s4] =	ssyncset.s32 $0xFFFFF086  }
0x25: {  	[simem:s6], [sflag:s4] =	dma.local [hbm:s3], $0xF7A  }
0x26: {  	[smem:$0x3F95] =	sst s1;
	(tag) =	ssettag s2;
	_ =	strace s9  }
0x27: {  	s1 =	sld [smem:$0x3FA5]  }
0x28: {  	s2 =	sld [smem:$0x3FA6]  }
0x29: {  	s4 =	sld [smem:$0x3FA8]  }
0x2a: {  	p0 =	seq.s32 s5, $0x0;
	s5 =	sld [smem:$0x3FA9]  }
0x2b: {  	s6 =	sld [smem:$0x3FAA]  }
0x2c: {  	s7 =	sld [smem:$0x3FAB]  }
0x2d: {  	s3 =	simm.s32 $0x108;
	s8 =	sld [smem:$0x3FAC]  }
0x2e: {  	s3 =	simm.s32 @!p0 $0x1082;
	s9 =	sld [smem:$0x3FAD]  }
0x2f: {  	lr =	sadd.s32 s0, s3;
	s0 =	sld [smem:$0x3FA4]  }
0x30: {  	s3 =	sld [smem:$0x3FA7]  }
0x31: {  	[smem:$0x3FB0] =	sst s10  }
0x32: {  	s10 =	sld [smem:$0x3FAE];
	_ =	sdelay $0x3  }
0x33: {  	p0 =	seq.s32 s10, $0x1;
	s10 =	sld [smem:$0x3FB0];
	_ =	sdelay $0x3  }
0x34: {  	[smem:$0x3FB0] =	sst s10  }
0x35: {  	s10 =	sld [smem:$0x3FAF];
	_ =	sdelay $0x3  }
0x36: {  	p1 =	seq.s32 s10, $0x1;
	s10 =	sld [smem:$0x3FB0];
	_ =	sdelay $0x3  }
0x37: {  	[smem:$0x3FB0] =	sst s10  }
0x38: {  	s10 =	sld [smem:$0x3FB1]  }
0x39: {  	_ = 	snop;
	(pc) =	sbr.ind lr, $3  }
0x3a: {  	_ = 	snop  }
0x3b: {  	_ = 	snop  }
0x3c: {  	p2 =	seq.s32 s10, $0x1;
	s10 =	sld [smem:$0x3FB0]  }
0x3d: {  	_ =	shalt  }
0x3e: {  	_ =	shalt  }
0x3f: {  	_ =	shalt  }
0x40: {  	_ =	shalt  }
0x41: {  	_ =	shalt  }
0x42: {  	_ =	shalt  }
0x43: {  	_ =	shalt  }
0x44: {  	_ =	shalt  }
0x45: {  	_ =	shalt  }
0x46: {  	_ =	shalt  }
0x47: {  	_ =	shalt  }
0x48: {  	_ =	shalt  }
0x49: {  	_ =	shalt  }
0x4a: {  	_ =	shalt  }
0x4b: {  	_ =	shalt  }
0x4c: {  	_ =	shalt  }
0x4d: {  	_ =	shalt  }
0x4e: {  	_ =	shalt  }
0x4f: {  	_ =	shalt  }
0x50: {  	_ =	shalt  }
0x51: {  	_ =	shalt  }
0x52: {  	_ =	shalt  }
0x53: {  	_ =	shalt  }
0x54: {  	_ =	shalt  }
0x55: {  	_ =	shalt  }
0x56: {  	_ =	shalt  }
0x57: {  	_ =	shalt  }
0x58: {  	_ =	shalt  }
0x59: {  	_ =	shalt  }
0x5a: {  	_ =	shalt  }
0x5b: {  	_ =	shalt  }
0x5c: {  	_ =	shalt  }
0x5d: {  	_ =	shalt  }
0x5e: {  	_ =	shalt  }
0x5f: {  	_ =	shalt  }
0x60: {  	_ =	shalt  }
0x61: {  	_ =	shalt  }
0x62: {  	_ =	shalt  }
0x63: {  	_ =	shalt  }
0x64: {  	_ =	shalt  }
0x65: {  	_ =	shalt  }
0x66: {  	_ =	shalt  }
0x67: {  	_ =	shalt  }
0x68: {  	_ =	shalt  }
0x69: {  	_ =	shalt  }
0x6a: {  	_ =	shalt  }
0x6b: {  	_ =	shalt  }
0x6c: {  	_ =	shalt  }
0x6d: {  	_ =	shalt  }
0x6e: {  	_ =	shalt  }
0x6f: {  	_ =	shalt  }
0x70: {  	_ =	shalt  }
0x71: {  	_ =	shalt  }
0x72: {  	_ =	shalt  }
0x73: {  	_ =	shalt  }
0x74: {  	_ =	shalt  }
0x75: {  	_ =	shalt  }
0x76: {  	_ =	shalt  }
0x77: {  	_ =	shalt  }
0x78: {  	_ =	shalt  }
0x79: {  	_ =	shalt  }
0x7a: {  	_ =	shalt  }
0x7b: {  	_ =	shalt  }
0x7c: {  	_ =	shalt  }
0x7d: {  	_ =	shalt  }
0x7e: {  	_ =	shalt  }
0x7f: {  	_ =	shalt  }
0x80: {  	_ =	shalt  }
0x81: {  	_ =	shalt  }
0x82: {  	_ =	shalt  }
0x83: {  	_ =	shalt  }
0x84: {  	_ =	shalt  }
0x85: {  	_ =	shalt  }
0x86: {  	_ =	shalt  }
0x87: {  	_ =	shalt  }
.Lfunc_end0:
.L_simem_size_0:
called_computation_lowered:
.L_overlay_start_0:
0x88: {  	s2 =	sld [smem:$0x3FD9]  }
0x89: {  	s3 =	sld [smem:$0x3FFE];
	_ =	sdelay $0x1  }
0x8a: {  	s1 =	srdreg.scid  }
0x8b: {  	s0 =	sand.u32 $0x1, s1  }
0x8c: {  	s17 =	sshll.u32 s0, $0xA;
	s2 =	sadd.s32 s3, s2  }
0x8d: {  	s2 =	sadd.s32 s2, s17  }
0x8e: {  	[smem:$0x3FBC] =	sst s2  }
0x8f: {  	_ = 	snop  }
0x90: {  	s2 =	sld [smem:$0x3FC9]  }
0x91: {  	s18 =	sld [smem:$0x3FC8]  }
0x92: {  	s4 =	sld [smem:$0x3FC7];
	(tm) =	ssettm $0x1  }
0x93: {  	s5 =	sld [smem:$0x3FFB];
	_ =	sdelay $0x3  }
0x94: {  	_ =	strace s5  }
0x95: {  	s5 =	sld [smem:$0x3FFC];
	_ =	sdelay $0x3  }
0x96: {  	_ =	strace s5  }
0x97: {  	s5 =	sld [smem:$0x3FFD];
	_ =	sdelay $0x3  }
0x98: {  	_ =	strace s5  }
0x99: {  	_ =	strace $0x8FFFFFFF  }
0x9a: {  	s19 =	sld [smem:$0x3FDB];
	_ =	sdelay $0x1  }
0x9b: {  	s6 =	simm.s32 $_scs_section_size  }
0x9c: {  	s7 =	simm.s32 $_size__tile_overlayer_lowered;
	s8 =	simm.s32 $_tile_overlayer_lowered  }
0x9d: {  	s22 =	simm.s32 $0x1BFF;
	s21 =	sshll.u32 s8, $0x1;
	s5 =	sadd.s32 s6, s19  }
0x9e: {  	s9 =	simm.s32 $0x0;
	s20 =	sshll.u32 s7, $0x1;
	s7 =	sadd.s32 s21, s5  }
0x9f: {  	[timem:s9], [sflag:s22] =	dma.local [hbm:s7], s20  }
0xa0: {  	_ =	swait.ge [sflag:s22], s20  }
0xa1: {  	s6 =	ssub.s32 $0x0, s20;
	[sflag:s22] =	ssyncset.done $0x0  }
0xa2: {  	[sflag:s22] =	ssyncadd.s32 s6;
	_ =	sdelay $0x1  }
0xa3: {  	s23 =	simm.s32 $0x1B8B  }
0xa4: {  	_ =	swait.ge [sflag:s23], $0x1  }
0xa5: {  	[sflag:s23] =	ssyncset.done $0x0  }
0xa6: {  	s25 =	simm.s32 $0x1B8E;
	s24 =	sld [smem:$0x3FFE];
	[sflag:s23] =	ssyncadd.s32 $0xFFFFFFFF  }
0xa7: {  	s26 =	simm.s32 $execute0_lowered;
	[smem:$0x3FD2] =	sst s25  }
0xa8: {  	s7 =	sshll.u32 s26, $0x1;
	_ =	strace $0x80000046;
	[dreg:$0x1] =	wrdreg $0xFFFFFFFF  }
0xa9: {  	s28 =	simm.s32 $_size_execute0_lowered;
	s5 =	sadd.s32 s5, s7;
	[dreg:$0x0] =	wrdreg $0x0  }
0xaa: {  	s7 =	sshll.u32 s28, $0x1;
	[dreg:$0x2] =	wrdreg s5  }
0xab: {  	[dreg:$0x3] =	wrdreg s7  }
0xac: {  	[dreg:$0x4] =	wrdreg $0xC0  }
0xad: {  	_ =	task [dreg:s9], $0x5FFFF  }
0xae: {  	[dreg:$0x1] =	wrdreg $0xFFFFFFFF  }
0xaf: {  	[dreg:$0x0] =	wrdreg $0x60  }
0xb0: {  	[dreg:$0x2] =	wrdreg s2  }
0xb1: {  	[dreg:$0x3] =	wrdreg s18  }
0xb2: {  	[dreg:$0x4] =	wrdreg s4  }
0xb3: {  	[dreg:$0x5] =	wrdreg s24  }
0xb4: {  	[dreg:$0x6] =	wrdreg $0x9  }
0xb5: {  	_ =	task.clear_ibuf [dreg:s9], $0x7FFFF;
	_ =	strace $0x90000046  }
0xb6: {  	s29 =	simm.s32 $0x9;
	_ =	strace $0x80000048  }
0xb7: {  	_ =	swait.ge [sflag:s29], $0x1  }
0xb8: {  	[sflag:s29] =	ssyncadd.s32 $0xFFFFFFFF  }
0xb9: {  	_ =	strace $0x90000048  }
0xba: {  	_ =	sfence  }
0xbb: {  	s30 =	sld [smem:$0x0];
	_ =	sdelay $0x2  }
0xbc: {  	s31 =	sshll.u32 s1, $0xD;
	s1 =	sshrl.u32 s1, $0x2  }
0xbd: {  	s3 =	sand.u32 $0x4000, s31;
	s1 =	sadd.s32 s1, s30  }
0xbe: {  	s0 =	sor.u32 s3, s0;
	s1 =	sshll.u32 s1, $0x11  }
0xbf: {  	s0 =	sor.u32 s1, s0  }
0xc0: {  	s0 =	sadd.s32 $0x8F2B, s0  }
0xc1: {  	[sflag:s0] =	ssyncadd.remote.s32 $0x1  }
0xc2: {  	_ =	sfence.sel $0xFFFF  }
0xc3: {  	[dreg:$0x0] =	wrdreg $0xFFFFFFFF;
	(pc) =	sbr.abs _section_cstart, $3  }
0xc4: {  	[dreg:$0x1] =	wrdreg $0xFFFFFFFF  }
0xc5: {  	_ =	task.clear_ibuf [dreg:s9], $0x2FFFF;
	_ =	strace $0x9FFFFFFF  }
0xc6: {  	(tm) =	ssettm $0x7FFFFFFF  }
0xc7: {  	_ =	shalt  }
tec
execute0_lowered:
.L_overlay_start_1:
0x0: {  	(tag) =	ssettag $0x1  }
0x1: {  	s1 =	rddreg [dreg:$0x0]  }
0x2: {  	s9 =	rddreg [dreg:$0x1]  }
0x3: {  	s11 =	rddreg [dreg:$0x2];
	s0 =	srdreg.scid  }
0x4: {  	s10 =	stileid.u32;
	s2 =	rddreg [dreg:$0x3];
	s5 =	simm.s32 $0x0  }
0x5: {  	s28 =	simm.s32 $0x4400;
	s29 =	simm.s32 $0x10400;
	s30 =	simm.s32 $0x4  }
0x6: {  	s31 =	simm.s32 $0x7;
	s0 =	sand.u32 $0x1, s0;
	s20 =	smul.u32 $0x4E20, s10  }
0x7: {  	s3 =	sshll.u32 s10, $0x1;
	[smem:$0x7FF] =	sst s5;
	s23 =	smul.u32 $0x4E200, s10  }
0x8: {  	s4 =	sadd.s32 $0x1C00, s2;
	s3 =	sor.u32 s0, s3;
	s21 =	smul.u32 $0x2710, s0  }
0x9: {  	s2 =	sadd.s32 $0x4E3C00, s2;
	s6 =	ssub.s32 $0x2, s0;
	s3 =	smul.u32 $0x2710, s3  }
0xa: {  	_ =	strace $0x80000047;
	s0 =	smul.u32 $0x27100, s0;
	s7 =	sshrl.u32 s6, $0x1  }
0xb: {  	s6 =	ssub.s32 s6, s7;
	s24 =	sadd.s32 s21, s20;
	s8 =	sshrl.u32 s3, $0x3  }
0xc: {  	s3 =	sadd.s32 $0x2700, s3;
	s6 =	smax.u32 s6, $0x1;
	s25 =	sadd.s32 $0x200, s24  }
0xd: {  	s26 =	sadd.s32 $0x100, s24;
	s16 =	sadd.s32 s9, s8;
	s17 =	sadd.s32 $0x10, s8  }
0xe: {  	s8 =	sadd.s32 s11, s8;
	s19 =	sshrl.u32 s3, $0x3;
	[dreg:$0xf] =	wrdreg s6  }
0xf: {  	s3 =	sshll.u32 s3, $0x4;
	s15 =	sshrl.u32 s25, $0x3;
	[dreg:$0x7] =	wrdreg s16  }
0x10: {  	s25 =	simm.s32 $0x300;
	[dreg:$0x8] =	wrdreg s8;
	s18 =	sadd.s32 s9, s17  }
0x11: {  	s6 =	simm.s32 $0x14400;
	s7 =	sadd.s32 s11, s17;
	[dreg:$0x9] =	wrdreg s18  }
0x12: {  	s9 =	sadd.s32 s9, s19;
	s22 =	sadd.s32 s4, s3;
	[dreg:$0xa] =	wrdreg s7  }
0x13: {  	s3 =	sadd.s32 s2, s3;
	s4 =	sadd.s32 s23, s4;
	[dreg:$0xb] =	wrdreg s9  }
0x14: {  	s2 =	sadd.s32 s23, s2;
	s17 =	sshrl.u32 s26, $0x3;
	[dreg:$0xd] =	wrdreg s22  }
0x15: {  	s26 =	simm.s32 $0x2;
	s7 =	sadd.s32 s11, s19;
	[dreg:$0xe] =	wrdreg s3  }
0x16: {  	s8 =	simm.s32 $0x8;
	s4 =	sadd.s32 s0, s4;
	[dreg:$0xc] =	wrdreg s7  }
0x17: {  	s0 =	sadd.s32 s0, s2;
	s3 =	sadd.s32 $0x180, s24;
	[dreg:$0x5] =	wrdreg s4  }
0x18: {  	s19 =	simm.s32 $0x80;
	s24 =	simm.s32 $0x100;
	[dreg:$0x10] =	wrdreg s3  }
0x19: {  	s9 =	simm.s32 $0x6;
	[dreg:$0x6] =	wrdreg s0;
	s3 =	simm.s32 $0x3  }
0x1a: {  	s0 =	simm.s32 $0x8400;
	s7 =	simm.s32 $0x5;
	s4 =	simm.s32 $0x0  }
.LBB2_1:
0x1b: {  	[dreg:$0x11] =	wrdreg s4  }
0x1c: {  	s2 =	rddreg [dreg:$0x7]  }
0x1d: {  	[tilespmem:s5], [sflag:$0x1] =	stream.linear.gather [hbm4b:s2+s5], $0x80, $0x38;
	[tilespmem:$0x19500] =	vst v63  }
0x1e: {  	s18 =	rddreg [dreg:$0x8];
	s20 =	simm.s32 $0x200  }
0x1f: {  	[tilespmem:s20], [sflag:$0x1] =	stream.linear.gather [hbm4b:s18+s5], $0x80, $0x38;
	[tilespmem:$0x19500] =	vst v63  }
0x20: {  	s21 =	rddreg [dreg:$0x9]  }
0x21: {  	[tilespmem:s19], [sflag:$0x2] =	stream.linear.gather [hbm4b:s21+s5], $0x80, $0x38;
	[tilespmem:$0x19500] =	vst v63  }
0x22: {  	s22 =	rddreg [dreg:$0xa];
	s10 =	simm.s32 $0x280;
	s23 =	simm.s32 $0x1  }
0x23: {  	[tilespmem:s10], [sflag:$0x2] =	stream.linear.gather [hbm4b:s22+s5], $0x80, $0x38;
	[tilespmem:$0x19500] =	vst v63  }
0x24: {  	_ =	swait.ge [sflag:s23], $0x80  }
0x25: {  	[sflag:s23] =	ssyncset.done $0x0  }
0x26: {  	[sflag:s23] =	ssyncadd.s32 $0xFFFFFF80  }
0x27: {  	_ =	swait.ge [sflag:s23], $0x80  }
0x28: {  	[sflag:s23] =	ssyncset.done $0x0  }
0x29: {  	s11 =	simm.s32 $0x400;
	p0 =	por $0x1, $0x1;
	[sflag:s23] =	ssyncadd.s32 $0xFFFFFF80  }
0x2a: {  	[tilespmem:s11], [sflag:$0x4] =	stream.indirect.gather [hbm4b:s1+s19], $0x80, s5, s19, $0xb8;
	[tilespmem:$0x19500] =	vst v63  }
0x2b: {  	s12 =	simm.s32 $0xC400;
	s2 =	simm.s32 @!p0 $0x9  }
0x2c: {  	[tilespmem:s12], [sflag:$0x4] =	stream.indirect.gather [hbm4b:s1+s19], $0x80, s20, s19, $0xb8;
	[tilespmem:$0x19500] =	vst v63  }
0x2d: {  	_ =	swait.ge @!p0 [sflag:s2], $0x4000  }
0x2e: {  	[sflag:s2] =	ssyncset.done @!p0 $0x0  }
0x2f: {  	[sflag:s2] =	ssyncadd.s32 @!p0 $0xFFFFC000  }
0x30: {  	_ =	swait.ge @!p0 [sflag:s2], $0x4000  }
0x31: {  	[sflag:s2] =	ssyncset.done @!p0 $0x0  }
0x32: {  	[sflag:s2] =	ssyncadd.s32 @!p0 $0xFFFFC000  }
0x33: {  	s16 =	rddreg [dreg:$0x1]  }
0x34: {  	s20 =	rddreg [dreg:$0x2];
	s4 =	sadd.s32 s16, s17  }
0x35: {  	[tilespmem:s24], [sflag:$0x3] =	stream.linear.gather [hbm4b:s4+s5], $0x80, $0x38;
	[tilespmem:$0x19500] =	vst v63  }
0x36: {  	s13 =	sadd.s32 s20, s17  }
0x37: {  	[tilespmem:s25], [sflag:$0x3] =	stream.linear.gather [hbm4b:s13+s5], $0x80, $0x38;
	[tilespmem:$0x19500] =	vst v63  }
0x38: {  	_ =	swait.ge [sflag:s26], $0x80  }
0x39: {  	[sflag:s26] =	ssyncset.done $0x0  }
0x3a: {  	[sflag:s26] =	ssyncadd.s32 $0xFFFFFF80  }
0x3b: {  	_ =	swait.ge [sflag:s26], $0x80  }
0x3c: {  	[sflag:s26] =	ssyncset.done $0x0  }
0x3d: {  	[sflag:s26] =	ssyncadd.s32 $0xFFFFFF80  }
0x3e: {  	[tilespmem:s28], [sflag:$0x5] =	stream.indirect.gather [hbm4b:s1+s19], $0x80, s19, s19, $0xb8;
	[tilespmem:$0x19500] =	vst v63  }
0x3f: {  	_ = 	snop  }
0x40: {  	[tilespmem:s29], [sflag:$0x5] =	stream.indirect.gather [hbm4b:s1+s19], $0x80, s10, s19, $0xb8;
	[tilespmem:$0x19500] =	vst v63  }
0x41: {  	_ =	swait.ge [sflag:s30], $0x4000  }
0x42: {  	[sflag:s30] =	ssyncset.done $0x0  }
0x43: {  	[sflag:s30] =	ssyncadd.s32 $0xFFFFC000  }
0x44: {  	_ =	swait.ge [sflag:s30], $0x4000  }
0x45: {  	s14 =	rddreg [dreg:$0x5];
	[sflag:s30] =	ssyncset.done $0x0  }
0x46: {  	s18 =	rddreg [dreg:$0x6];
	[sflag:s30] =	ssyncadd.s32 $0xFFFFC000;
	s21 =	sadd.s32 $0x0, s14  }
0x47: {  	[hbm4b:s21+s5] =	stream.linear.scatter [tilespmem:s11], [sflag:$0x7], $0x4000, $0x38;
	[tilespmem:$0x19500] =	vst v63  }
0x48: {  	s2 =	sadd.s32 $0x0, s18  }
0x49: {  	[hbm4b:s2+s5] =	stream.linear.scatter [tilespmem:s12], [sflag:$0x7], $0x4000, $0x38;
	[tilespmem:$0x19500] =	vst v63  }
0x4a: {  	_ =	swait.ge [sflag:s31], $0x4000  }
0x4b: {  	[sflag:s31] =	ssyncset.done $0x0  }
0x4c: {  	[sflag:s31] =	ssyncadd.s32 $0xFFFFC000  }
0x4d: {  	_ =	swait.ge [sflag:s31], $0x4000  }
0x4e: {  	p0 =	por $0x0, $0x0;
	s18 =	rddreg [dreg:$0x10]  }
0x4f: {  	[sflag:s31] =	ssyncset.done $0x0;
	s10 =	sshrl.u32 @!p0 s18, $0x3  }
0x50: {  	s12 =	simm.s32 @!p0 $0x0;
	[sflag:s31] =	ssyncadd.s32 $0xFFFFC000;
	s11 =	sadd.s32 @!p0 s16, s10  }
0x51: {  	[tilespmem:s12], [sflag:$0x1] =	stream.linear.gather @!p0 [hbm4b:s11+s12], $0x80, $0x38;
	[tilespmem:$0x19500] =	vst v63  }
0x52: {  	s10 =	sadd.s32 @!p0 s20, s10;
	s11 =	simm.s32 @!p0 $0x200  }
0x53: {  	[tilespmem:s11], [sflag:$0x1] =	stream.linear.gather @!p0 [hbm4b:s10+s12], $0x80, $0x38;
	[tilespmem:$0x19500] =	vst v63  }
0x54: {  	_ =	swait.ge [sflag:s3], $0x80  }
0x55: {  	[sflag:s3] =	ssyncset.done $0x0  }
0x56: {  	[sflag:s3] =	ssyncadd.s32 $0xFFFFFF80  }
0x57: {  	_ =	swait.ge [sflag:s3], $0x80  }
0x58: {  	[sflag:s3] =	ssyncset.done $0x0  }
0x59: {  	[sflag:s3] =	ssyncadd.s32 $0xFFFFFF80  }
0x5a: {  	[tilespmem:s0], [sflag:$0x6] =	stream.indirect.gather [hbm4b:s1+s19], $0x80, s24, s19, $0xb8;
	[tilespmem:$0x19500] =	vst v63  }
0x5b: {  	_ = 	snop  }
0x5c: {  	[tilespmem:s6], [sflag:$0x6] =	stream.indirect.gather [hbm4b:s1+s19], $0x80, s25, s19, $0xb8;
	[tilespmem:$0x19500] =	vst v63  }
0x5d: {  	_ =	swait.ge [sflag:s7], $0x4000  }
0x5e: {  	[sflag:s7] =	ssyncset.done $0x0  }
0x5f: {  	[sflag:s7] =	ssyncadd.s32 $0xFFFFC000  }
0x60: {  	_ =	swait.ge [sflag:s7], $0x4000  }
0x61: {  	[sflag:s7] =	ssyncset.done $0x0  }
0x62: {  	s22 =	sadd.s32 $0x800, s21;
	[sflag:s7] =	ssyncadd.s32 $0xFFFFC000  }
0x63: {  	[hbm4b:s22+s5] =	stream.linear.scatter [tilespmem:s28], [sflag:$0x8], $0x4000, $0x38;
	[tilespmem:$0x19500] =	vst v63  }
0x64: {  	s23 =	sadd.s32 $0x800, s2  }
0x65: {  	[hbm4b:s23+s5] =	stream.linear.scatter [tilespmem:s29], [sflag:$0x8], $0x4000, $0x38;
	[tilespmem:$0x19500] =	vst v63  }
0x66: {  	_ =	swait.ge [sflag:s8], $0x4000  }
0x67: {  	[sflag:s8] =	ssyncset.done $0x0  }
0x68: {  	[sflag:s8] =	ssyncadd.s32 $0xFFFFC000  }
0x69: {  	_ =	swait.ge [sflag:s8], $0x4000  }
0x6a: {  	[sflag:s8] =	ssyncset.done $0x0  }
0x6b: {  	s13 =	simm.s32 @!p0 $0x80;
	s10 =	sadd.s32 @!p0 s16, s15;
	[sflag:s8] =	ssyncadd.s32 $0xFFFFC000  }
0x6c: {  	[tilespmem:s13], [sflag:$0x2] =	stream.linear.gather @!p0 [hbm4b:s10+s12], $0x80, $0x38;
	[tilespmem:$0x19500] =	vst v63  }
0x6d: {  	s14 =	simm.s32 @!p0 $0x280;
	s10 =	sadd.s32 @!p0 s20, s15  }
0x6e: {  	[tilespmem:s14], [sflag:$0x2] =	stream.linear.gather @!p0 [hbm4b:s10+s12], $0x80, $0x38;
	[tilespmem:$0x19500] =	vst v63  }
0x6f: {  	s10 =	simm.s32 @!p0 $0x1  }
0x70: {  	_ =	swait.ge @!p0 [sflag:s10], $0x80  }
0x71: {  	[sflag:s10] =	ssyncset.done @!p0 $0x0  }
0x72: {  	[sflag:s10] =	ssyncadd.s32 @!p0 $0xFFFFFF80  }
0x73: {  	_ =	swait.ge @!p0 [sflag:s10], $0x80  }
0x74: {  	[sflag:s10] =	ssyncset.done @!p0 $0x0  }
0x75: {  	[sflag:s10] =	ssyncadd.s32 @!p0 $0xFFFFFF80;
	s10 =	simm.s32 @!p0 $0x400  }
0x76: {  	[tilespmem:s10], [sflag:$0x4] =	stream.indirect.gather @!p0 [hbm4b:s1+s13], $0x80, s12, s13, $0xb8;
	[tilespmem:$0x19500] =	vst v63  }
0x77: {  	s10 =	simm.s32 @!p0 $0xC400  }
0x78: {  	[tilespmem:s10], [sflag:$0x4] =	stream.indirect.gather @!p0 [hbm4b:s1+s13], $0x80, s11, s13, $0xb8;
	[tilespmem:$0x19500] =	vst v63  }
0x79: {  	_ =	swait.ge [sflag:s9], $0x4000  }
0x7a: {  	[sflag:s9] =	ssyncset.done $0x0  }
0x7b: {  	[sflag:s9] =	ssyncadd.s32 $0xFFFFC000  }
0x7c: {  	p1 =	por $0x0, $0x0;
	_ =	swait.ge [sflag:s9], $0x4000  }
0x7d: {  	s4 =	sadd.s32 $0x1000, s21;
	s21 =	simm.s32 $0x3000;
	[sflag:s9] =	ssyncset.done $0x0  }
0x7e: {  	s18 =	sadd.s32 $0x180, s18;
	s14 =	sadd.s32 $0x30, s16;
	[sflag:s9] =	ssyncadd.s32 $0xFFFFC000  }
0x7f: {  	[hbm4b:s4+s5] =	stream.linear.scatter [tilespmem:s0], [sflag:$0x9], $0x4000, $0x38;
	[tilespmem:$0x19500] =	vst v63  }
0x80: {  	s11 =	simm.s32 $0x1800;
	s10 =	sadd.s32 $0x1000, s2;
	s4 =	smov.u32 s20  }
.LBB2_2:
0x81: {  	s12 =	simm.s32 @!p1 $0x9  }
0x82: {  	[hbm4b:s10+s5] =	stream.linear.scatter [tilespmem:s6], [sflag:$0x9], $0x4000, $0x38;
	[tilespmem:$0x19500] =	vst v63  }
0x83: {  	_ =	swait.ge @!p1 [sflag:s12], $0x4000  }
0x84: {  	[sflag:s12] =	ssyncset.done @!p1 $0x0  }
0x85: {  	[sflag:s12] =	ssyncadd.s32 @!p1 $0xFFFFC000  }
0x86: {  	_ =	swait.ge @!p1 [sflag:s12], $0x4000  }
0x87: {  	[sflag:s12] =	ssyncset.done @!p1 $0x0  }
0x88: {  	s4 =	sadd.s32 $0x30, s4;
	s13 =	sadd.s32 s14, s17;
	[sflag:s12] =	ssyncadd.s32 @!p1 $0xFFFFC000  }
0x89: {  	[tilespmem:s24], [sflag:$0x3] =	stream.linear.gather [hbm4b:s13+s5], $0x80, $0x38;
	[tilespmem:$0x19500] =	vst v63  }
0x8a: {  	s16 =	sadd.s32 s4, s17  }
0x8b: {  	[tilespmem:s25], [sflag:$0x3] =	stream.linear.gather [hbm4b:s16+s5], $0x80, $0x38;
	[tilespmem:$0x19500] =	vst v63  }
0x8c: {  	_ =	swait.ge [sflag:s26], $0x80  }
0x8d: {  	[sflag:s26] =	ssyncset.done $0x0  }
0x8e: {  	[sflag:s26] =	ssyncadd.s32 $0xFFFFFF80  }
0x8f: {  	_ =	swait.ge [sflag:s26], $0x80  }
0x90: {  	[sflag:s26] =	ssyncset.done $0x0  }
0x91: {  	[sflag:s26] =	ssyncadd.s32 $0xFFFFFF80  }
0x92: {  	[tilespmem:s28], [sflag:$0x5] =	stream.indirect.gather [hbm4b:s1+s19], $0x80, s19, s19, $0xb8;
	[tilespmem:$0x19500] =	vst v63  }
0x93: {  	s20 =	simm.s32 $0x280  }
0x94: {  	[tilespmem:s29], [sflag:$0x5] =	stream.indirect.gather [hbm4b:s1+s19], $0x80, s20, s19, $0xb8;
	[tilespmem:$0x19500] =	vst v63  }
0x95: {  	_ =	swait.ge [sflag:s30], $0x4000  }
0x96: {  	[sflag:s30] =	ssyncset.done $0x0  }
0x97: {  	[sflag:s30] =	ssyncadd.s32 $0xFFFFC000  }
0x98: {  	_ =	swait.ge [sflag:s30], $0x4000  }
0x99: {  	s13 =	simm.s32 $0x400;
	s22 =	rddreg [dreg:$0x5];
	[sflag:s30] =	ssyncset.done $0x0  }
0x9a: {  	s23 =	rddreg [dreg:$0x6];
	[sflag:s30] =	ssyncadd.s32 $0xFFFFC000;
	s10 =	sadd.s32 s11, s22  }
0x9b: {  	[hbm4b:s10+s5] =	stream.linear.scatter [tilespmem:s13], [sflag:$0x7], $0x4000, $0x38;
	[tilespmem:$0x19500] =	vst v63  }
0x9c: {  	s16 =	simm.s32 $0xC400;
	s12 =	sadd.s32 s11, s23  }
0x9d: {  	[hbm4b:s12+s5] =	stream.linear.scatter [tilespmem:s16], [sflag:$0x7], $0x4000, $0x38;
	[tilespmem:$0x19500] =	vst v63  }
0x9e: {  	_ =	swait.ge [sflag:s31], $0x4000  }
0x9f: {  	[sflag:s31] =	ssyncset.done $0x0  }
0xa0: {  	[sflag:s31] =	ssyncadd.s32 $0xFFFFC000  }
0xa1: {  	_ =	swait.ge [sflag:s31], $0x4000  }
0xa2: {  	[sflag:s31] =	ssyncset.done $0x0  }
0xa3: {  	s2 =	smov.u32 s21;
	p1 =	seq.s32 s11, $0x25800;
	[sflag:s31] =	ssyncadd.s32 $0xFFFFC000  }
0xa4: {  	s11 =	smov.u32 s2;
	s2 =	sshrl.u32 @!p1 s18, $0x3;
	s13 =	rddreg [dreg:$0x1]  }
0xa5: {  	s16 =	sadd.s32 @!p1 s13, s2;
	s13 =	simm.s32 @!p1 $0x0  }
0xa6: {  	[tilespmem:s13], [sflag:$0x1] =	stream.linear.gather @!p1 [hbm4b:s16+s13], $0x80, $0x38;
	[tilespmem:$0x19500] =	vst v63  }
0xa7: {  	s16 =	rddreg [dreg:$0x2]  }
0xa8: {  	s16 =	sadd.s32 @!p1 s16, s2;
	s2 =	simm.s32 @!p1 $0x200  }
0xa9: {  	[tilespmem:s2], [sflag:$0x1] =	stream.linear.gather @!p1 [hbm4b:s16+s13], $0x80, $0x38;
	[tilespmem:$0x19500] =	vst v63  }
0xaa: {  	_ =	swait.ge [sflag:s3], $0x80  }
0xab: {  	[sflag:s3] =	ssyncset.done $0x0  }
0xac: {  	[sflag:s3] =	ssyncadd.s32 $0xFFFFFF80  }
0xad: {  	_ =	swait.ge [sflag:s3], $0x80  }
0xae: {  	[sflag:s3] =	ssyncset.done $0x0  }
0xaf: {  	[sflag:s3] =	ssyncadd.s32 $0xFFFFFF80  }
0xb0: {  	[tilespmem:s0], [sflag:$0x6] =	stream.indirect.gather [hbm4b:s1+s19], $0x80, s24, s19, $0xb8;
	[tilespmem:$0x19500] =	vst v63  }
0xb1: {  	_ = 	snop  }
0xb2: {  	[tilespmem:s6], [sflag:$0x6] =	stream.indirect.gather [hbm4b:s1+s19], $0x80, s25, s19, $0xb8;
	[tilespmem:$0x19500] =	vst v63  }
0xb3: {  	_ =	swait.ge [sflag:s7], $0x4000  }
0xb4: {  	[sflag:s7] =	ssyncset.done $0x0  }
0xb5: {  	[sflag:s7] =	ssyncadd.s32 $0xFFFFC000  }
0xb6: {  	_ =	swait.ge [sflag:s7], $0x4000  }
0xb7: {  	[sflag:s7] =	ssyncset.done $0x0  }
0xb8: {  	s20 =	sadd.s32 $0x800, s10;
	[sflag:s7] =	ssyncadd.s32 $0xFFFFC000  }
0xb9: {  	[hbm4b:s20+s5] =	stream.linear.scatter [tilespmem:s28], [sflag:$0x8], $0x4000, $0x38;
	[tilespmem:$0x19500] =	vst v63  }
0xba: {  	s22 =	sadd.s32 $0x800, s12  }
0xbb: {  	[hbm4b:s22+s5] =	stream.linear.scatter [tilespmem:s29], [sflag:$0x8], $0x4000, $0x38;
	[tilespmem:$0x19500] =	vst v63  }
0xbc: {  	_ =	swait.ge [sflag:s8], $0x4000  }
0xbd: {  	[sflag:s8] =	ssyncset.done $0x0  }
0xbe: {  	[sflag:s8] =	ssyncadd.s32 $0xFFFFC000  }
0xbf: {  	_ =	swait.ge [sflag:s8], $0x4000  }
0xc0: {  	[sflag:s8] =	ssyncset.done $0x0  }
0xc1: {  	s16 =	sadd.s32 @!p1 s14, s15;
	s20 =	simm.s32 @!p1 $0x80;
	[sflag:s8] =	ssyncadd.s32 $0xFFFFC000  }
0xc2: {  	[tilespmem:s20], [sflag:$0x2] =	stream.linear.gather @!p1 [hbm4b:s16+s13], $0x80, $0x38;
	[tilespmem:$0x19500] =	vst v63  }
0xc3: {  	s23 =	simm.s32 @!p1 $0x1;
	s22 =	simm.s32 @!p1 $0x280;
	s16 =	sadd.s32 @!p1 s4, s15  }
0xc4: {  	[tilespmem:s22], [sflag:$0x2] =	stream.linear.gather @!p1 [hbm4b:s16+s13], $0x80, $0x38;
	[tilespmem:$0x19500] =	vst v63  }
0xc5: {  	_ =	swait.ge @!p1 [sflag:s23], $0x80  }
0xc6: {  	[sflag:s23] =	ssyncset.done @!p1 $0x0  }
0xc7: {  	[sflag:s23] =	ssyncadd.s32 @!p1 $0xFFFFFF80  }
0xc8: {  	_ =	swait.ge @!p1 [sflag:s23], $0x80  }
0xc9: {  	[sflag:s23] =	ssyncset.done @!p1 $0x0  }
0xca: {  	s16 =	simm.s32 @!p1 $0x400;
	[sflag:s23] =	ssyncadd.s32 @!p1 $0xFFFFFF80  }
0xcb: {  	[tilespmem:s16], [sflag:$0x4] =	stream.indirect.gather @!p1 [hbm4b:s1+s20], $0x80, s13, s20, $0xb8;
	[tilespmem:$0x19500] =	vst v63  }
0xcc: {  	s13 =	simm.s32 @!p1 $0xC400  }
0xcd: {  	[tilespmem:s13], [sflag:$0x4] =	stream.indirect.gather @!p1 [hbm4b:s1+s20], $0x80, s2, s20, $0xb8;
	[tilespmem:$0x19500] =	vst v63  }
0xce: {  	s21 =	sadd.s32 $0x1800, s21;
	_ =	swait.ge [sflag:s9], $0x4000  }
0xcf: {  	p0 =	sne.s32 s21, $0x27000;
	[sflag:s9] =	ssyncset.done $0x0  }
.Ltmp0:
0xd0: {  	[sflag:s9] =	ssyncadd.s32 $0xFFFFC000;
	(pc) =	sbr.rel @p0 .LBB2_2-.Ltmp0, $4  }
0xd1: {  	s18 =	sadd.s32 $0x180, s18;
	_ =	swait.ge [sflag:s9], $0x4000  }
0xd2: {  	s14 =	sadd.s32 $0x30, s14;
	s23 =	sadd.s32 $0x1000, s10;
	[sflag:s9] =	ssyncset.done $0x0  }
0xd3: {  	s10 =	sadd.s32 $0x1000, s12;
	p1 =	seq.s32 s11, $0x0;
	[sflag:s9] =	ssyncadd.s32 $0xFFFFC000  }
0xd4: {  	[hbm4b:s23+s5] =	stream.linear.scatter [tilespmem:s0], [sflag:$0x9], $0x4000, $0x38;
	[tilespmem:$0x19500] =	vst v63  }
0xd5: {  	s12 =	simm.s32 @!p1 $0x9  }
0xd6: {  	[hbm4b:s10+s5] =	stream.linear.scatter [tilespmem:s6], [sflag:$0x9], $0x4000, $0x38;
	[tilespmem:$0x19500] =	vst v63  }
0xd7: {  	_ =	swait.ge @!p1 [sflag:s12], $0x4000  }
0xd8: {  	[sflag:s12] =	ssyncset.done @!p1 $0x0  }
0xd9: {  	[sflag:s12] =	ssyncadd.s32 @!p1 $0xFFFFC000  }
0xda: {  	_ =	swait.ge @!p1 [sflag:s12], $0x4000  }
0xdb: {  	[sflag:s12] =	ssyncset.done @!p1 $0x0  }
0xdc: {  	s2 =	sadd.s32 $0x30, s4;
	s16 =	sadd.s32 s14, s17;
	[sflag:s12] =	ssyncadd.s32 @!p1 $0xFFFFC000  }
0xdd: {  	[tilespmem:s24], [sflag:$0x3] =	stream.linear.gather [hbm4b:s16+s5], $0x80, $0x38;
	[tilespmem:$0x19500] =	vst v63  }
0xde: {  	s20 =	sadd.s32 s2, s17  }
0xdf: {  	[tilespmem:s25], [sflag:$0x3] =	stream.linear.gather [hbm4b:s20+s5], $0x80, $0x38;
	[tilespmem:$0x19500] =	vst v63  }
0xe0: {  	_ =	swait.ge [sflag:s26], $0x80  }
0xe1: {  	[sflag:s26] =	ssyncset.done $0x0  }
0xe2: {  	[sflag:s26] =	ssyncadd.s32 $0xFFFFFF80  }
0xe3: {  	_ =	swait.ge [sflag:s26], $0x80  }
0xe4: {  	[sflag:s26] =	ssyncset.done $0x0  }
0xe5: {  	[sflag:s26] =	ssyncadd.s32 $0xFFFFFF80  }
0xe6: {  	[tilespmem:s28], [sflag:$0x5] =	stream.indirect.gather [hbm4b:s1+s19], $0x80, s19, s19, $0xb8;
	[tilespmem:$0x19500] =	vst v63  }
0xe7: {  	s21 =	simm.s32 $0x280  }
0xe8: {  	[tilespmem:s29], [sflag:$0x5] =	stream.indirect.gather [hbm4b:s1+s19], $0x80, s21, s19, $0xb8;
	[tilespmem:$0x19500] =	vst v63  }
0xe9: {  	_ =	swait.ge [sflag:s30], $0x4000  }
0xea: {  	[sflag:s30] =	ssyncset.done $0x0  }
0xeb: {  	[sflag:s30] =	ssyncadd.s32 $0xFFFFC000  }
0xec: {  	_ =	swait.ge [sflag:s30], $0x4000  }
0xed: {  	s13 =	simm.s32 $0x400;
	s22 =	rddreg [dreg:$0x5];
	[sflag:s30] =	ssyncset.done $0x0  }
0xee: {  	s23 =	rddreg [dreg:$0x6];
	[sflag:s30] =	ssyncadd.s32 $0xFFFFC000;
	s4 =	sadd.s32 s11, s22  }
0xef: {  	[hbm4b:s4+s5] =	stream.linear.scatter [tilespmem:s13], [sflag:$0x7], $0x4000, $0x38;
	[tilespmem:$0x19500] =	vst v63  }
0xf0: {  	s16 =	simm.s32 $0xC400;
	s10 =	sadd.s32 s11, s23  }
0xf1: {  	[hbm4b:s10+s5] =	stream.linear.scatter [tilespmem:s16], [sflag:$0x7], $0x4000, $0x38;
	[tilespmem:$0x19500] =	vst v63  }
0xf2: {  	_ =	swait.ge [sflag:s31], $0x4000  }
0xf3: {  	[sflag:s31] =	ssyncset.done $0x0  }
0xf4: {  	[sflag:s31] =	ssyncadd.s32 $0xFFFFC000  }
0xf5: {  	_ =	swait.ge [sflag:s31], $0x4000  }
0xf6: {  	[sflag:s31] =	ssyncset.done $0x0  }
0xf7: {  	p0 =	seq.s32 s11, $0x25800;
	[sflag:s31] =	ssyncadd.s32 $0xFFFFC000  }
0xf8: {  	s11 =	sshrl.u32 @!p0 s18, $0x3;
	s12 =	rddreg [dreg:$0x1]  }
0xf9: {  	s13 =	simm.s32 @!p0 $0x0;
	s12 =	sadd.s32 @!p0 s12, s11  }
0xfa: {  	[tilespmem:s13], [sflag:$0x1] =	stream.linear.gather @!p0 [hbm4b:s12+s13], $0x80, $0x38;
	[tilespmem:$0x19500] =	vst v63  }
0xfb: {  	s12 =	rddreg [dreg:$0x2]  }
0xfc: {  	s11 =	sadd.s32 @!p0 s12, s11;
	s12 =	simm.s32 @!p0 $0x200  }
0xfd: {  	[tilespmem:s12], [sflag:$0x1] =	stream.linear.gather @!p0 [hbm4b:s11+s13], $0x80, $0x38;
	[tilespmem:$0x19500] =	vst v63  }
0xfe: {  	_ =	swait.ge [sflag:s3], $0x80  }
0xff: {  	[sflag:s3] =	ssyncset.done $0x0  }
0x100: {  	[sflag:s3] =	ssyncadd.s32 $0xFFFFFF80  }
0x101: {  	_ =	swait.ge [sflag:s3], $0x80  }
0x102: {  	[sflag:s3] =	ssyncset.done $0x0  }
0x103: {  	[sflag:s3] =	ssyncadd.s32 $0xFFFFFF80  }
0x104: {  	[tilespmem:s0], [sflag:$0x6] =	stream.indirect.gather [hbm4b:s1+s19], $0x80, s24, s19, $0xb8;
	[tilespmem:$0x19500] =	vst v63  }
0x105: {  	_ = 	snop  }
0x106: {  	[tilespmem:s6], [sflag:$0x6] =	stream.indirect.gather [hbm4b:s1+s19], $0x80, s25, s19, $0xb8;
	[tilespmem:$0x19500] =	vst v63  }
0x107: {  	_ =	swait.ge [sflag:s7], $0x4000  }
0x108: {  	[sflag:s7] =	ssyncset.done $0x0  }
0x109: {  	[sflag:s7] =	ssyncadd.s32 $0xFFFFC000  }
0x10a: {  	_ =	swait.ge [sflag:s7], $0x4000  }
0x10b: {  	[sflag:s7] =	ssyncset.done $0x0  }
0x10c: {  	s20 =	sadd.s32 $0x800, s4;
	[sflag:s7] =	ssyncadd.s32 $0xFFFFC000  }
0x10d: {  	[hbm4b:s20+s5] =	stream.linear.scatter [tilespmem:s28], [sflag:$0x8], $0x4000, $0x38;
	[tilespmem:$0x19500] =	vst v63  }
0x10e: {  	s21 =	sadd.s32 $0x800, s10  }
0x10f: {  	[hbm4b:s21+s5] =	stream.linear.scatter [tilespmem:s29], [sflag:$0x8], $0x4000, $0x38;
	[tilespmem:$0x19500] =	vst v63  }
0x110: {  	_ =	swait.ge [sflag:s8], $0x4000  }
0x111: {  	[sflag:s8] =	ssyncset.done $0x0  }
0x112: {  	[sflag:s8] =	ssyncadd.s32 $0xFFFFC000  }
0x113: {  	_ =	swait.ge [sflag:s8], $0x4000  }
0x114: {  	[sflag:s8] =	ssyncset.done $0x0  }
0x115: {  	s11 =	sadd.s32 @!p0 s14, s15;
	s14 =	simm.s32 @!p0 $0x80;
	[sflag:s8] =	ssyncadd.s32 $0xFFFFC000  }
0x116: {  	[tilespmem:s14], [sflag:$0x2] =	stream.linear.gather @!p0 [hbm4b:s11+s13], $0x80, $0x38;
	[tilespmem:$0x19500] =	vst v63  }
0x117: {  	s2 =	sadd.s32 @!p0 s2, s15;
	s11 =	simm.s32 @!p0 $0x280  }
0x118: {  	[tilespmem:s11], [sflag:$0x2] =	stream.linear.gather @!p0 [hbm4b:s2+s13], $0x80, $0x38;
	[tilespmem:$0x19500] =	vst v63  }
0x119: {  	s2 =	simm.s32 @!p0 $0x1  }
0x11a: {  	_ =	swait.ge @!p0 [sflag:s2], $0x80  }
0x11b: {  	[sflag:s2] =	ssyncset.done @!p0 $0x0  }
0x11c: {  	[sflag:s2] =	ssyncadd.s32 @!p0 $0xFFFFFF80  }
0x11d: {  	_ =	swait.ge @!p0 [sflag:s2], $0x80  }
0x11e: {  	[sflag:s2] =	ssyncset.done @!p0 $0x0  }
0x11f: {  	[sflag:s2] =	ssyncadd.s32 @!p0 $0xFFFFFF80;
	s2 =	simm.s32 @!p0 $0x400  }
0x120: {  	[tilespmem:s2], [sflag:$0x4] =	stream.indirect.gather @!p0 [hbm4b:s1+s14], $0x80, s13, s14, $0xb8;
	[tilespmem:$0x19500] =	vst v63  }
0x121: {  	s2 =	simm.s32 @!p0 $0xC400  }
0x122: {  	[tilespmem:s2], [sflag:$0x4] =	stream.indirect.gather @!p0 [hbm4b:s1+s14], $0x80, s12, s14, $0xb8;
	[tilespmem:$0x19500] =	vst v63  }
0x123: {  	_ =	swait.ge [sflag:s9], $0x4000  }
0x124: {  	[sflag:s9] =	ssyncset.done $0x0  }
0x125: {  	[sflag:s9] =	ssyncadd.s32 $0xFFFFC000  }
0x126: {  	_ =	swait.ge [sflag:s9], $0x4000  }
0x127: {  	[sflag:s9] =	ssyncset.done $0x0  }
0x128: {  	s22 =	sadd.s32 $0x1000, s4;
	[sflag:s9] =	ssyncadd.s32 $0xFFFFC000  }
0x129: {  	[hbm4b:s22+s5] =	stream.linear.scatter [tilespmem:s0], [sflag:$0x9], $0x4000, $0x38;
	[tilespmem:$0x19500] =	vst v63  }
0x12a: {  	s23 =	sadd.s32 $0x1000, s10;
	s4 =	simm.s32 $0x9  }
0x12b: {  	[hbm4b:s23+s5] =	stream.linear.scatter [tilespmem:s6], [sflag:$0x9], $0x4000, $0x38;
	[tilespmem:$0x19500] =	vst v63  }
0x12c: {  	_ =	swait.ge [sflag:s4], $0x4000  }
0x12d: {  	[sflag:s4] =	ssyncset.done $0x0  }
0x12e: {  	[sflag:s4] =	ssyncadd.s32 $0xFFFFC000  }
0x12f: {  	_ =	swait.ge [sflag:s4], $0x4000  }
0x130: {  	[sflag:s4] =	ssyncset.done $0x0  }
0x131: {  	s11 =	simm.s32 $0x18400;
	s10 =	rddreg [dreg:$0xb];
	[sflag:s4] =	ssyncadd.s32 $0xFFFFC000  }
0x132: {  	[tilespmem:s11], [sflag:$0xA] =	stream.linear.gather [hbm4b:s10+s5], $0x10, $0x38;
	[tilespmem:$0x19500] =	vst v63  }
0x133: {  	s10 =	simm.s32 $0xA  }
0x134: {  	_ =	swait.ge [sflag:s10], $0x10  }
0x135: {  	[sflag:s10] =	ssyncset.done $0x0  }
0x136: {  	s13 =	simm.s32 $0x18480;
	s12 =	rddreg [dreg:$0xc];
	[sflag:s10] =	ssyncadd.s32 $0xFFFFFFF0  }
0x137: {  	[tilespmem:s13], [sflag:$0xA] =	stream.linear.gather [hbm4b:s12+s5], $0x10, $0x38;
	[tilespmem:$0x19500] =	vst v63  }
0x138: {  	_ =	swait.ge [sflag:s10], $0x10  }
0x139: {  	[sflag:s10] =	ssyncset.done $0x0  }
0x13a: {  	s16 =	simm.s32 $0x18500;
	s14 =	simm.s32 $0x10;
	[sflag:s10] =	ssyncadd.s32 $0xFFFFFFF0  }
0x13b: {  	[tilespmem:s16], [sflag:$0x4] =	stream.indirect.gather [hbm4b:s1+s14], $0x80, s11, s14, $0xb8;
	[tilespmem:$0x19500] =	vst v63  }
0x13c: {  	s18 =	simm.s32 $0x18D00  }
0x13d: {  	[tilespmem:s18], [sflag:$0x5] =	stream.indirect.gather [hbm4b:s1+s14], $0x80, s13, s14, $0xb8;
	[tilespmem:$0x19500] =	vst v63  }
0x13e: {  	_ =	swait.ge [sflag:s30], $0x800  }
0x13f: {  	[sflag:s30] =	ssyncset.done $0x0  }
0x140: {  	[sflag:s30] =	ssyncadd.s32 $0xFFFFF800  }
0x141: {  	_ =	swait.ge [sflag:s7], $0x800  }
0x142: {  	[sflag:s7] =	ssyncset.done $0x0  }
0x143: {  	s20 =	rddreg [dreg:$0xd];
	[sflag:s7] =	ssyncadd.s32 $0xFFFFF800  }
0x144: {  	[hbm4b:s20+s5] =	stream.linear.scatter [tilespmem:s16], [sflag:$0xA], $0x800, $0x38;
	[tilespmem:$0x19500] =	vst v63  }
0x145: {  	_ =	swait.ge [sflag:s10], $0x800  }
0x146: {  	[sflag:s10] =	ssyncset.done $0x0  }
0x147: {  	s21 =	rddreg [dreg:$0xe];
	[sflag:s10] =	ssyncadd.s32 $0xFFFFF800  }
0x148: {  	[hbm4b:s21+s5] =	stream.linear.scatter [tilespmem:s18], [sflag:$0xA], $0x800, $0x38;
	[tilespmem:$0x19500] =	vst v63  }
0x149: {  	_ =	swait.ge [sflag:s10], $0x800  }
0x14a: {  	s22 =	rddreg [dreg:$0x11]  }
0x14b: {  	s23 =	rddreg [dreg:$0xf];
	s4 =	sadd.s32 $0x1, s22  }
0x14c: {  	p0 =	sne.s32 s4, s23  }
.Ltmp1:
0x14d: {  	_ = 	snop;
	(pc) =	sbr.rel @p0 .LBB2_1-.Ltmp1, $3  }
0x14e: {  	_ =	sdelay $0x1  }
0x14f: {  	[sflag:s10] =	ssyncset.done $0x0  }
0x150: {  	[sflag:s10] =	ssyncadd.s32 $0xFFFFF800  }
0x151: {  	_ =	sfence.sel $0x180000  }
0x152: {  	[bflag:$0x0] =	sbarrier.arrive $0xFFFF  }
0x153: {  	_ =	strace $0x90000047  }
0x154: {  	s0 =	stileid.u32;
	[bflag:$0x2] =	sbarrier.arrive $0xFFFF  }
0x155: {  	p0 =	sne.s32 s0, $0x0;
	s0 =	rddreg [dreg:$0x4]  }
0x156: {  	s0 =	sadd.s32 @!p0 $0x100000, s0  }
0x157: {  	[sflag:s0] =	ssyncadd.tile.s32 @!p0 $0x1;
	_ =	shalt  }
.Lfunc_end2:
_tile_overlayer_lowered:
.L_overlay_start_2:
0x158: {  	(tag) =	ssettag $0x2  }
0x159: {  	s0 =	rddreg [dreg:$0x0];
	s2 =	stileid.u32  }
0x15a: {  	s1 =	rddreg [dreg:$0x1];
	p0 =	sne.s32 s2, $0x0  }
0x15b: {  	s3 =	rddreg [dreg:$0x2];
	[bflag:$0x3] =	sbarrier.arrive $0xFFFF;
	s2 =	simm.s32 @!p0 $0x1C0A  }
0x15c: {  	[timem:s3], [sflag:s2] =	dma.local @!p0 [hbm:s0], s1  }
0x15d: {  	s0 =	simm.s32 @!p0 $0xA  }
0x15e: {  	_ =	swait.ge @!p0 [sflag:s0], s1  }
0x15f: {  	s1 =	ssub.s32 @!p0 $0x0, s1;
	[sflag:s0] =	ssyncset.done @!p0 $0x0  }
0x160: {  	[sflag:s0] =	ssyncadd.s32 @!p0 s1  }
0x161: {  	[bflag:$0x3] =	sbarrier.arrive $0xFFFF  }
0x162: {  	_ =	shalt  }

// kernel: kernel.9.cloned.1.call-start
scs
__scs_entry_jumppad:
0x0: {  	(pc) =	sbr.rel $0x88, $3  }
0x1: {  	(tag) =	ssettag $0x0;
	lr =	simm.s32 $0x1  }
0x2: {  	[smem:$0x3F95] =	sst lr;
	_ =	strace $0xD0000000  }
0x3: {  	_ = 	snop  }
0x4: {  	_ = 	snop  }
0x5: {  	_ = 	snop  }
0x6: {  	_ = 	snop  }
0x7: {  	_ = 	snop  }
__scs_overlays_trampoline_lowered:
0x8: {  	[smem:$0x3FA4] =	sst s0  }
0x9: {  	[smem:$0x3FA5] =	sst s1  }
0xa: {  	[smem:$0x3FA6] =	sst s2  }
0xb: {  	[smem:$0x3FA7] =	sst s3  }
0xc: {  	[smem:$0x3FA8] =	sst s4  }
0xd: {  	[smem:$0x3FA9] =	sst s5  }
0xe: {  	[smem:$0x3FAA] =	sst s6  }
0xf: {  	[smem:$0x3FAB] =	sst s7  }
0x10: {  	[smem:$0x3FAC] =	sst s8  }
0x11: {  	[smem:$0x3FAD] =	sst s9;
	s0 =	simm.s32 @!p0 $0x0  }
0x12: {  	s1 =	sld [smem:$0x3F93];
	s0 =	simm.s32 @p0 $0x1  }
0x13: {  	[smem:$0x3FAE] =	sst s0;
	s0 =	simm.s32 @!p1 $0x0  }
0x14: {  	s2 =	sld [smem:$0x3F92];
	s0 =	simm.s32 @p1 $0x1  }
0x15: {  	[smem:$0x3FAF] =	sst s0;
	s0 =	simm.s32 @!p2 $0x0  }
0x16: {  	s3 =	sld [smem:$0x3FDB];
	s0 =	simm.s32 @p2 $0x1  }
0x17: {  	s4 =	simm.s32 $0x1BF5;
	[smem:$0x3FB1] =	sst s0  }
0x18: {  	s0 =	sld [smem:$0x3F94];
	_ =	swait.ge [sflag:s4], $0x0  }
0x19: {  	s7 =	sld [smem:$0x3F95]  }
0x1a: {  	s8 =	sadd.s32 $0xFFFFE003, lr  }
0x1b: {  	s9 =	sadd.s32 $0xFFFFFEF7, lr;
	s5 =	simm.s32 $0xFFFFFFFF;
	p2 =	slt.u32 s8, $0xFFFFF086  }
0x1c: {  	p1 =	slt.u32 s9, $0xF7A;
	s5 =	simm.s32 @!p2 $0x0  }
0x1d: {  	s5 =	simm.s32 @p1 $0x1;
	p0 =	seq.s32 s7, s2  }
0x1e: {  	s7 =	smul.u32 @!p0 $0xF7A, s2;
	p2 =	seq.s32 @!p0 s5, $0x0  }
0x1f: {  	s9 =	smul.u32 $0xF7A, s1;
	s8 =	simm.s32 @!p0 $0x1BF5;
	p2 =	por !p2, p0  }
0x20: {  	[sflag:s8] =	ssyncset.s32 @!p0 $0xFFFFF086;
	s6 =	sadd.s32 @!p0 s3, s7;
	s7 =	simm.s32 @!p0 $0x108  }
0x21: {  	s3 =	sadd.s32 s3, s9;
	s6 =	sadd.s32 @!p0 $0x88, s6;
	s7 =	simm.s32 @p2 $0x1082  }
0x22: {  	[simem:s7], [sflag:s8] =	dma.local @!p0 [hbm:s6], $0xF7A  }
0x23: {  	s9 =	sor.u32 $0xD0000000, s2;
	s6 =	simm.s32 $0x108;
	_ =	swait.ge @!p0 [sflag:s8], $0x0  }
0x24: {  	s3 =	sadd.s32 $0x88, s3;
	s6 =	simm.s32 @!p1 $0x1082;
	[sflag:s4] =	ssyncset.s32 $0xFFFFF086  }
0x25: {  	[simem:s6], [sflag:s4] =	dma.local [hbm:s3], $0xF7A  }
0x26: {  	[smem:$0x3F95] =	sst s1;
	(tag) =	ssettag s2;
	_ =	strace s9  }
0x27: {  	s1 =	sld [smem:$0x3FA5]  }
0x28: {  	s2 =	sld [smem:$0x3FA6]  }
0x29: {  	s4 =	sld [smem:$0x3FA8]  }
0x2a: {  	p0 =	seq.s32 s5, $0x0;
	s5 =	sld [smem:$0x3FA9]  }
0x2b: {  	s6 =	sld [smem:$0x3FAA]  }
0x2c: {  	s7 =	sld [smem:$0x3FAB]  }
0x2d: {  	s3 =	simm.s32 $0x108;
	s8 =	sld [smem:$0x3FAC]  }
0x2e: {  	s3 =	simm.s32 @!p0 $0x1082;
	s9 =	sld [smem:$0x3FAD]  }
0x2f: {  	lr =	sadd.s32 s0, s3;
	s0 =	sld [smem:$0x3FA4]  }
0x30: {  	s3 =	sld [smem:$0x3FA7]  }
0x31: {  	[smem:$0x3FB0] =	sst s10  }
0x32: {  	s10 =	sld [smem:$0x3FAE];
	_ =	sdelay $0x3  }
0x33: {  	p0 =	seq.s32 s10, $0x1;
	s10 =	sld [smem:$0x3FB0];
	_ =	sdelay $0x3  }
0x34: {  	[smem:$0x3FB0] =	sst s10  }
0x35: {  	s10 =	sld [smem:$0x3FAF];
	_ =	sdelay $0x3  }
0x36: {  	p1 =	seq.s32 s10, $0x1;
	s10 =	sld [smem:$0x3FB0];
	_ =	sdelay $0x3  }
0x37: {  	[smem:$0x3FB0] =	sst s10  }
0x38: {  	s10 =	sld [smem:$0x3FB1]  }
0x39: {  	_ = 	snop;
	(pc) =	sbr.ind lr, $3  }
0x3a: {  	_ = 	snop  }
0x3b: {  	_ = 	snop  }
0x3c: {  	p2 =	seq.s32 s10, $0x1;
	s10 =	sld [smem:$0x3FB0]  }
0x3d: {  	_ =	shalt  }
0x3e: {  	_ =	shalt  }
0x3f: {  	_ =	shalt  }
0x40: {  	_ =	shalt  }
0x41: {  	_ =	shalt  }
0x42: {  	_ =	shalt  }
0x43: {  	_ =	shalt  }
0x44: {  	_ =	shalt  }
0x45: {  	_ =	shalt  }
0x46: {  	_ =	shalt  }
0x47: {  	_ =	shalt  }
0x48: {  	_ =	shalt  }
0x49: {  	_ =	shalt  }
0x4a: {  	_ =	shalt  }
0x4b: {  	_ =	shalt  }
0x4c: {  	_ =	shalt  }
0x4d: {  	_ =	shalt  }
0x4e: {  	_ =	shalt  }
0x4f: {  	_ =	shalt  }
0x50: {  	_ =	shalt  }
0x51: {  	_ =	shalt  }
0x52: {  	_ =	shalt  }
0x53: {  	_ =	shalt  }
0x54: {  	_ =	shalt  }
0x55: {  	_ =	shalt  }
0x56: {  	_ =	shalt  }
0x57: {  	_ =	shalt  }
0x58: {  	_ =	shalt  }
0x59: {  	_ =	shalt  }
0x5a: {  	_ =	shalt  }
0x5b: {  	_ =	shalt  }
0x5c: {  	_ =	shalt  }
0x5d: {  	_ =	shalt  }
0x5e: {  	_ =	shalt  }
0x5f: {  	_ =	shalt  }
0x60: {  	_ =	shalt  }
0x61: {  	_ =	shalt  }
0x62: {  	_ =	shalt  }
0x63: {  	_ =	shalt  }
0x64: {  	_ =	shalt  }
0x65: {  	_ =	shalt  }
0x66: {  	_ =	shalt  }
0x67: {  	_ =	shalt  }
0x68: {  	_ =	shalt  }
0x69: {  	_ =	shalt  }
0x6a: {  	_ =	shalt  }
0x6b: {  	_ =	shalt  }
0x6c: {  	_ =	shalt  }
0x6d: {  	_ =	shalt  }
0x6e: {  	_ =	shalt  }
0x6f: {  	_ =	shalt  }
0x70: {  	_ =	shalt  }
0x71: {  	_ =	shalt  }
0x72: {  	_ =	shalt  }
0x73: {  	_ =	shalt  }
0x74: {  	_ =	shalt  }
0x75: {  	_ =	shalt  }
0x76: {  	_ =	shalt  }
0x77: {  	_ =	shalt  }
0x78: {  	_ =	shalt  }
0x79: {  	_ =	shalt  }
0x7a: {  	_ =	shalt  }
0x7b: {  	_ =	shalt  }
0x7c: {  	_ =	shalt  }
0x7d: {  	_ =	shalt  }
0x7e: {  	_ =	shalt  }
0x7f: {  	_ =	shalt  }
0x80: {  	_ =	shalt  }
0x81: {  	_ =	shalt  }
0x82: {  	_ =	shalt  }
0x83: {  	_ =	shalt  }
0x84: {  	_ =	shalt  }
0x85: {  	_ =	shalt  }
0x86: {  	_ =	shalt  }
0x87: {  	_ =	shalt  }
.Lfunc_end0:
.L_simem_size_0:
called_computation.1_lowered:
.L_overlay_start_0:
0x88: {  	s2 =	sld [smem:$0x3FD9]  }
0x89: {  	s3 =	sld [smem:$0x3FFE];
	_ =	sdelay $0x1  }
0x8a: {  	s1 =	srdreg.scid  }
0x8b: {  	s0 =	sand.u32 $0x1, s1  }
0x8c: {  	s17 =	sshll.u32 s0, $0xA;
	s2 =	sadd.s32 s3, s2  }
0x8d: {  	s2 =	sadd.s32 s2, s17  }
0x8e: {  	[smem:$0x3FBC] =	sst s2  }
0x8f: {  	_ = 	snop  }
0x90: {  	s2 =	sld [smem:$0x3FC8];
	(tm) =	ssettm $0x1  }
0x91: {  	s18 =	sld [smem:$0x3FFB];
	_ =	sdelay $0x3  }
0x92: {  	_ =	strace s18  }
0x93: {  	s3 =	sld [smem:$0x3FFC];
	_ =	sdelay $0x3  }
0x94: {  	_ =	strace s3  }
0x95: {  	s3 =	sld [smem:$0x3FFD];
	_ =	sdelay $0x3  }
0x96: {  	_ =	strace s3  }
0x97: {  	_ =	strace $0x8FFFFFFF  }
0x98: {  	s19 =	sld [smem:$0x3FDB];
	_ =	sdelay $0x1  }
0x99: {  	s4 =	simm.s32 $_scs_section_size  }
0x9a: {  	s5 =	simm.s32 $_size__tile_overlayer_lowered;
	s6 =	simm.s32 $_tile_overlayer_lowered  }
0x9b: {  	s22 =	simm.s32 $0x1BFF;
	s21 =	sshll.u32 s6, $0x1;
	s3 =	sadd.s32 s4, s19  }
0x9c: {  	s7 =	simm.s32 $0x0;
	s20 =	sshll.u32 s5, $0x1;
	s5 =	sadd.s32 s21, s3  }
0x9d: {  	[timem:s7], [sflag:s22] =	dma.local [hbm:s5], s20  }
0x9e: {  	_ =	swait.ge [sflag:s22], s20  }
0x9f: {  	s4 =	ssub.s32 $0x0, s20;
	[sflag:s22] =	ssyncset.done $0x0  }
0xa0: {  	[sflag:s22] =	ssyncadd.s32 s4;
	_ =	sdelay $0x1  }
0xa1: {  	s23 =	simm.s32 $0x1B8B  }
0xa2: {  	_ =	swait.ge [sflag:s23], $0x1  }
0xa3: {  	[sflag:s23] =	ssyncset.done $0x0  }
0xa4: {  	s25 =	simm.s32 $0x1B8E;
	s24 =	sld [smem:$0x3FFE];
	[sflag:s23] =	ssyncadd.s32 $0xFFFFFFFF  }
0xa5: {  	s26 =	simm.s32 $execute0_lowered;
	[smem:$0x3FD2] =	sst s25  }
0xa6: {  	s5 =	sshll.u32 s26, $0x1;
	_ =	strace $0x80000049;
	[dreg:$0x1] =	wrdreg $0xFFFFFFFF  }
0xa7: {  	s28 =	simm.s32 $_size_execute0_lowered;
	s3 =	sadd.s32 s3, s5;
	[dreg:$0x0] =	wrdreg $0x0  }
0xa8: {  	s5 =	sshll.u32 s28, $0x1;
	[dreg:$0x2] =	wrdreg s3  }
0xa9: {  	[dreg:$0x3] =	wrdreg s5  }
0xaa: {  	[dreg:$0x4] =	wrdreg $0xC0  }
0xab: {  	_ =	task [dreg:s7], $0x5FFFF  }
0xac: {  	[dreg:$0x1] =	wrdreg $0xFFFFFFFF  }
0xad: {  	[dreg:$0x0] =	wrdreg $0x60  }
0xae: {  	[dreg:$0x2] =	wrdreg s24  }
0xaf: {  	[dreg:$0x3] =	wrdreg s2  }
0xb0: {  	[dreg:$0x4] =	wrdreg $0x0  }
0xb1: {  	[dreg:$0x5] =	wrdreg $0x9  }
0xb2: {  	_ =	task.clear_ibuf [dreg:s7], $0x6FFFF;
	_ =	strace $0x90000049  }
0xb3: {  	s29 =	simm.s32 $0x9;
	_ =	strace $0x8000004B  }
0xb4: {  	_ =	swait.ge [sflag:s29], $0x1  }
0xb5: {  	[sflag:s29] =	ssyncadd.s32 $0xFFFFFFFF  }
0xb6: {  	_ =	strace $0x9000004B  }
0xb7: {  	_ =	sfence  }
0xb8: {  	s30 =	sld [smem:$0x0];
	_ =	sdelay $0x2  }
0xb9: {  	s31 =	sshll.u32 s1, $0xD;
	s1 =	sshrl.u32 s1, $0x2  }
0xba: {  	s3 =	sand.u32 $0x4000, s31;
	s1 =	sadd.s32 s1, s30  }
0xbb: {  	s0 =	sor.u32 s3, s0;
	s1 =	sshll.u32 s1, $0x11  }
0xbc: {  	s0 =	sor.u32 s1, s0  }
0xbd: {  	s0 =	sadd.s32 $0x8F2B, s0  }
0xbe: {  	[sflag:s0] =	ssyncadd.remote.s32 $0x1  }
0xbf: {  	_ =	sfence.sel $0xFFFF  }
0xc0: {  	[dreg:$0x0] =	wrdreg $0xFFFFFFFF;
	(pc) =	sbr.abs _section_cstart, $3  }
0xc1: {  	[dreg:$0x1] =	wrdreg $0xFFFFFFFF  }
0xc2: {  	_ =	task.clear_ibuf [dreg:s7], $0x2FFFF;
	_ =	strace $0x9FFFFFFF  }
0xc3: {  	(tm) =	ssettm $0x7FFFFFFF  }
tec
execute0_lowered:
.L_overlay_start_1:
0x0: {  	(tag) =	ssettag $0x1  }
0x1: {  	s0 =	rddreg [dreg:$0x0]  }
0x2: {  	s2 =	rddreg [dreg:$0x1]  }
0x3: {  	s3 =	rddreg [dreg:$0x2];
	s16 =	stileid.u32  }
0x4: {  	s4 =	simm.s32 $0x0;
	s1 =	srdreg.scid;
	s5 =	smul.u32 $0x2800, s16  }
0x5: {  	s28 =	simm.s32 $0x1C100;
	s29 =	simm.s32 $0x1C180;
	s8 =	smul.u32 $0x50000, s16  }
0x6: {  	s31 =	simm.s32 $0x0;
	s1 =	sand.u32 $0x1, s1;
	s14 =	smul.u32 $0x4E200, s16  }
0x7: {  	s9 =	sshll.u32 s16, $0x1;
	s21 =	sshll.u32 s16, $0x6;
	s16 =	smul.u32 $0x4E20, s16  }
0x8: {  	[smem:$0x7FF] =	sst s4;
	s13 =	sadd.s32 $0x186BC00, s0;
	s6 =	smul.u32 $0x28000, s1  }
0x9: {  	_ =	strace $0x8000004A;
	s19 =	ssub.s32 $0x2, s1;
	s18 =	smul.u32 $0x2710, s1  }
0xa: {  	s9 =	sor.u32 s1, s9;
	s1 =	smul.u32 $0x27100, s1;
	s7 =	sadd.s32 s5, s0  }
0xb: {  	s10 =	sshrl.u32 s19, $0x1;
	s8 =	sshrl.u32 s8, $0x2;
	s12 =	smul.u32 $0x2710, s9  }
0xc: {  	s22 =	smul.u32 $0x27100, s9;
	s14 =	sadd.s32 s14, s13;
	s0 =	sadd.s32 s6, s0  }
0xd: {  	s11 =	ssub.s32 s19, s10;
	s17 =	sadd.s32 s8, s3;
	s20 =	sadd.s32 $0x1C00, s7  }
0xe: {  	s6 =	sor.u32 $0x1C03, s21;
	s16 =	sadd.s32 s18, s16;
	s1 =	sadd.s32 s1, s14  }
0xf: {  	s19 =	simm.s32 $0x14000;
	s21 =	simm.s32 $0x14080;
	[dreg:$0x4] =	wrdreg s20  }
0x10: {  	s23 =	sshrl.u32 s12, $0x3;
	s24 =	sadd.s32 $0x2700, s12;
	s25 =	sadd.s32 s13, s22  }
0x11: {  	s15 =	sadd.s32 $0x2680, s12;
	s0 =	sadd.s32 $0x29C00, s0;
	s11 =	smax.u32 s11, $0x1  }
0x12: {  	s18 =	sadd.s32 $0x80, s16;
	s14 =	sadd.s32 $0x1000, s1;
	s17 =	sshrl.u32 s17, $0x3  }
0x13: {  	s20 =	simm.s32 $0x14100;
	s22 =	simm.s32 $0x18100;
	s7 =	sadd.s32 s2, s23  }
0x14: {  	[dreg:$0x6] =	wrdreg s25;
	s26 =	sshrl.u32 s24, $0x3;
	s10 =	sshll.u32 s24, $0x4  }
0x15: {  	s12 =	sshrl.u32 s15, $0x3;
	s15 =	sshll.u32 s15, $0x4;
	s30 =	sshrl.u32 s18, $0x3  }
0x16: {  	s18 =	simm.s32 $0x3;
	s23 =	simm.s32 $0x1;
	s24 =	sadd.s32 s5, s0  }
0x17: {  	s25 =	simm.s32 $0x80;
	[dreg:$0x5] =	wrdreg s7;
	s9 =	sadd.s32 s2, s26  }
0x18: {  	s10 =	sadd.s32 s13, s10;
	s12 =	sadd.s32 s2, s12;
	s13 =	sadd.s32 s13, s15  }
0x19: {  	s15 =	sadd.s32 $0x100, s16;
	s16 =	sadd.s32 s30, s2;
	s26 =	simm.s32 $0x2  }
.LBB2_1:
0x1a: {  	s0 =	rddreg [dreg:$0x4]  }
0x1b: {  	[spmem:s17], [sflag:s6] =	dma.local [hbm:s0], $0x2800  }
0x1c: {  	_ =	swait.ge [sflag:s18], $0x2800  }
0x1d: {  	[sflag:s18] =	ssyncset.done $0x0  }
0x1e: {  	[sflag:s18] =	ssyncadd.s32 $0xFFFFD800  }
0x1f: {  	[bflag:$0x0] =	sbarrier.arrive $0xFFFF  }
0x20: {  	s8 =	rddreg [dreg:$0x5]  }
0x21: {  	[tilespmem:s19], [sflag:$0x1] =	stream.linear.gather [hbm4b:s8+s4], $0x80, $0x38;
	[tilespmem:$0x1C980] =	vst v63  }
0x22: {  	s1 =	rddreg [dreg:$0x6]  }
0x23: {  	[tilespmem:s20], [sflag:$0x1] =	stream.linear.gather [hbm4b:s1+s4], $0x4000, $0x38;
	[tilespmem:$0x1C980] =	vst v63  }
0x24: {  	s5 =	sadd.s32 $0x0, s16  }
0x25: {  	[tilespmem:s21], [sflag:$0x2] =	stream.linear.gather [hbm4b:s5+s4], $0x80, $0x38;
	[tilespmem:$0x1C980] =	vst v63  }
0x26: {  	s7 =	sadd.s32 $0xFFFFF800, s14  }
0x27: {  	[tilespmem:s22], [sflag:$0x2] =	stream.linear.gather [hbm4b:s7+s4], $0x4000, $0x38;
	[tilespmem:$0x1C980] =	vst v63  }
0x28: {  	_ =	swait.ge [sflag:s23], $0x80  }
0x29: {  	[sflag:s23] =	ssyncset.done $0x0  }
0x2a: {  	[sflag:s23] =	ssyncadd.s32 $0xFFFFFF80  }
0x2b: {  	_ =	swait.ge [sflag:s23], $0x4000  }
0x2c: {  	[sflag:s23] =	ssyncset.done $0x0  }
0x2d: {  	[sflag:s23] =	ssyncadd.s32 $0xFFFFC000  }
0x2e: {  	[spmem:s3] =	stream.indirect.scatter.add.f32 [tilespmem:s20], [sflag:$0x3], $0x80, s19, s25, $0xb8;
	[tilespmem:$0x1C980] =	vst v63  }
0x2f: {  	_ =	swait.ge [sflag:s18], $0x4000  }
0x30: {  	s8 =	sshrl.u32 s15, $0x3;
	[sflag:s18] =	ssyncset.done $0x0  }
0x31: {  	s0 =	sadd.s32 s2, s8;
	[sflag:s18] =	ssyncadd.s32 $0xFFFFC000  }
0x32: {  	[tilespmem:s19], [sflag:$0x1] =	stream.linear.gather [hbm4b:s0+s4], $0x80, $0x38;
	[tilespmem:$0x1C980] =	vst v63  }
0x33: {  	_ = 	snop  }
0x34: {  	[tilespmem:s20], [sflag:$0x1] =	stream.linear.gather [hbm4b:s14+s4], $0x4000, $0x38;
	[tilespmem:$0x1C980] =	vst v63  }
0x35: {  	_ =	swait.ge [sflag:s26], $0x80  }
0x36: {  	[sflag:s26] =	ssyncset.done $0x0  }
0x37: {  	[sflag:s26] =	ssyncadd.s32 $0xFFFFFF80  }
0x38: {  	_ =	swait.ge [sflag:s26], $0x4000  }
0x39: {  	[sflag:s26] =	ssyncset.done $0x0  }
0x3a: {  	[sflag:s26] =	ssyncadd.s32 $0xFFFFC000  }
0x3b: {  	[spmem:s3] =	stream.indirect.scatter.add.f32 [tilespmem:s22], [sflag:$0x3], $0x80, s21, s25, $0xb8;
	[tilespmem:$0x1C980] =	vst v63  }
0x3c: {  	s30 =	simm.s32 $0x20;
	s1 =	sadd.s32 $0x100, s15;
	_ =	swait.ge [sflag:s18], $0x4000  }
0x3d: {  	s5 =	simm.s32 $0x40;
	s0 =	sadd.s32 $0x1000, s14;
	[sflag:s18] =	ssyncset.done $0x0  }
.LBB2_2:
0x3e: {  	s7 =	sadd.s32 s30, s16  }
0x3f: {  	[sflag:s18] =	ssyncadd.s32 $0xFFFFC000;
	s30 =	smov.u32 s5;
	s8 =	sadd.s32 $0x20, s5  }
0x40: {  	[tilespmem:s21], [sflag:$0x2] =	stream.linear.gather [hbm4b:s7+s4], $0x80, $0x38;
	[tilespmem:$0x1C980] =	vst v63  }
0x41: {  	p0 =	sne.s32 s5, $0x4A0;
	s5 =	sadd.s32 $0xFFFFF800, s0  }
0x42: {  	[tilespmem:s22], [sflag:$0x2] =	stream.linear.gather [hbm4b:s5+s4], $0x4000, $0x38;
	[tilespmem:$0x1C980] =	vst v63  }
0x43: {  	_ =	swait.ge [sflag:s23], $0x80  }
0x44: {  	[sflag:s23] =	ssyncset.done $0x0  }
0x45: {  	[sflag:s23] =	ssyncadd.s32 $0xFFFFFF80  }
0x46: {  	_ =	swait.ge [sflag:s23], $0x4000  }
0x47: {  	[sflag:s23] =	ssyncset.done $0x0  }
0x48: {  	[sflag:s23] =	ssyncadd.s32 $0xFFFFC000  }
0x49: {  	[spmem:s3] =	stream.indirect.scatter.add.f32 [tilespmem:s20], [sflag:$0x3], $0x80, s19, s25, $0xb8;
	[tilespmem:$0x1C980] =	vst v63  }
0x4a: {  	_ =	swait.ge [sflag:s18], $0x4000  }
0x4b: {  	s5 =	sshrl.u32 s1, $0x3;
	[sflag:s18] =	ssyncset.done $0x0  }
0x4c: {  	s5 =	sadd.s32 s2, s5;
	[sflag:s18] =	ssyncadd.s32 $0xFFFFC000  }
0x4d: {  	[tilespmem:s19], [sflag:$0x1] =	stream.linear.gather [hbm4b:s5+s4], $0x80, $0x38;
	[tilespmem:$0x1C980] =	vst v63  }
0x4e: {  	_ = 	snop  }
0x4f: {  	[tilespmem:s20], [sflag:$0x1] =	stream.linear.gather [hbm4b:s0+s4], $0x4000, $0x38;
	[tilespmem:$0x1C980] =	vst v63  }
0x50: {  	_ =	swait.ge [sflag:s26], $0x80  }
0x51: {  	[sflag:s26] =	ssyncset.done $0x0  }
0x52: {  	[sflag:s26] =	ssyncadd.s32 $0xFFFFFF80  }
0x53: {  	_ =	swait.ge [sflag:s26], $0x4000  }
.Ltmp0:
0x54: {  	[sflag:s26] =	ssyncset.done $0x0;
	(pc) =	sbr.rel @p0 .LBB2_2-.Ltmp0, $4  }
0x55: {  	[sflag:s26] =	ssyncadd.s32 $0xFFFFC000  }
0x56: {  	[spmem:s3] =	stream.indirect.scatter.add.f32 [tilespmem:s22], [sflag:$0x3], $0x80, s21, s25, $0xb8;
	[tilespmem:$0x1C980] =	vst v63  }
0x57: {  	s1 =	sadd.s32 $0x100, s1;
	_ =	swait.ge [sflag:s18], $0x4000  }
0x58: {  	s5 =	smov.u32 s8;
	s0 =	sadd.s32 $0x1000, s0;
	[sflag:s18] =	ssyncset.done $0x0  }
0x59: {  	s5 =	sadd.s32 s30, s16;
	[sflag:s18] =	ssyncadd.s32 $0xFFFFC000  }
0x5a: {  	[tilespmem:s21], [sflag:$0x2] =	stream.linear.gather [hbm4b:s5+s4], $0x80, $0x38;
	[tilespmem:$0x1C980] =	vst v63  }
0x5b: {  	s8 =	sadd.s32 $0xFFFFF800, s0  }
0x5c: {  	[tilespmem:s22], [sflag:$0x2] =	stream.linear.gather [hbm4b:s8+s4], $0x4000, $0x38;
	[tilespmem:$0x1C980] =	vst v63  }
0x5d: {  	_ =	swait.ge [sflag:s23], $0x80  }
0x5e: {  	[sflag:s23] =	ssyncset.done $0x0  }
0x5f: {  	[sflag:s23] =	ssyncadd.s32 $0xFFFFFF80  }
0x60: {  	_ =	swait.ge [sflag:s23], $0x4000  }
0x61: {  	[sflag:s23] =	ssyncset.done $0x0  }
0x62: {  	[sflag:s23] =	ssyncadd.s32 $0xFFFFC000  }
0x63: {  	[spmem:s3] =	stream.indirect.scatter.add.f32 [tilespmem:s20], [sflag:$0x3], $0x80, s19, s25, $0xb8;
	[tilespmem:$0x1C980] =	vst v63  }
0x64: {  	_ =	swait.ge [sflag:s18], $0x4000  }
0x65: {  	s1 =	sshrl.u32 s1, $0x3;
	[sflag:s18] =	ssyncset.done $0x0  }
0x66: {  	s1 =	sadd.s32 s2, s1;
	[sflag:s18] =	ssyncadd.s32 $0xFFFFC000  }
0x67: {  	[tilespmem:s19], [sflag:$0x1] =	stream.linear.gather [hbm4b:s1+s4], $0x80, $0x38;
	[tilespmem:$0x1C980] =	vst v63  }
0x68: {  	_ = 	snop  }
0x69: {  	[tilespmem:s20], [sflag:$0x1] =	stream.linear.gather [hbm4b:s0+s4], $0x4000, $0x38;
	[tilespmem:$0x1C980] =	vst v63  }
0x6a: {  	_ =	swait.ge [sflag:s26], $0x80  }
0x6b: {  	[sflag:s26] =	ssyncset.done $0x0  }
0x6c: {  	[sflag:s26] =	ssyncadd.s32 $0xFFFFFF80  }
0x6d: {  	_ =	swait.ge [sflag:s26], $0x4000  }
0x6e: {  	[sflag:s26] =	ssyncset.done $0x0  }
0x6f: {  	[sflag:s26] =	ssyncadd.s32 $0xFFFFC000  }
0x70: {  	[spmem:s3] =	stream.indirect.scatter.add.f32 [tilespmem:s22], [sflag:$0x3], $0x80, s21, s25, $0xb8;
	[tilespmem:$0x1C980] =	vst v63  }
0x71: {  	_ =	swait.ge [sflag:s18], $0x4000  }
0x72: {  	[sflag:s18] =	ssyncset.done $0x0  }
0x73: {  	[sflag:s18] =	ssyncadd.s32 $0xFFFFC000  }
0x74: {  	[tilespmem:s21], [sflag:$0x2] =	stream.linear.gather [hbm4b:s12+s4], $0x80, $0x38;
	[tilespmem:$0x1C980] =	vst v63  }
0x75: {  	_ = 	snop  }
0x76: {  	[tilespmem:s22], [sflag:$0x2] =	stream.linear.gather [hbm4b:s13+s4], $0x4000, $0x38;
	[tilespmem:$0x1C980] =	vst v63  }
0x77: {  	_ =	swait.ge [sflag:s23], $0x80  }
0x78: {  	[sflag:s23] =	ssyncset.done $0x0  }
0x79: {  	[sflag:s23] =	ssyncadd.s32 $0xFFFFFF80  }
0x7a: {  	_ =	swait.ge [sflag:s23], $0x4000  }
0x7b: {  	[sflag:s23] =	ssyncset.done $0x0  }
0x7c: {  	[sflag:s23] =	ssyncadd.s32 $0xFFFFC000  }
0x7d: {  	[spmem:s3] =	stream.indirect.scatter.add.f32 [tilespmem:s20], [sflag:$0x3], $0x80, s19, s25, $0xb8;
	[tilespmem:$0x1C980] =	vst v63  }
0x7e: {  	_ =	swait.ge [sflag:s18], $0x4000  }
0x7f: {  	[sflag:s18] =	ssyncset.done $0x0  }
0x80: {  	[sflag:s18] =	ssyncadd.s32 $0xFFFFC000  }
0x81: {  	_ =	swait.ge [sflag:s26], $0x80  }
0x82: {  	[sflag:s26] =	ssyncset.done $0x0  }
0x83: {  	[sflag:s26] =	ssyncadd.s32 $0xFFFFFF80  }
0x84: {  	_ =	swait.ge [sflag:s26], $0x4000  }
0x85: {  	[sflag:s26] =	ssyncset.done $0x0  }
0x86: {  	[sflag:s26] =	ssyncadd.s32 $0xFFFFC000  }
0x87: {  	[spmem:s3] =	stream.indirect.scatter.add.f32 [tilespmem:s22], [sflag:$0x3], $0x80, s21, s25, $0xb8;
	[tilespmem:$0x1C980] =	vst v63  }
0x88: {  	_ =	swait.ge [sflag:s18], $0x4000  }
0x89: {  	[sflag:s18] =	ssyncset.done $0x0  }
0x8a: {  	[sflag:s18] =	ssyncadd.s32 $0xFFFFC000  }
0x8b: {  	[tilespmem:s28], [sflag:$0x3] =	stream.linear.gather [hbm4b:s9+s4], $0x10, $0x38;
	[tilespmem:$0x1C980] =	vst v63  }
0x8c: {  	_ =	swait.ge [sflag:s18], $0x10  }
0x8d: {  	[sflag:s18] =	ssyncset.done $0x0  }
0x8e: {  	[sflag:s18] =	ssyncadd.s32 $0xFFFFFFF0  }
0x8f: {  	[tilespmem:s29], [sflag:$0x3] =	stream.linear.gather [hbm4b:s10+s4], $0x800, $0x38;
	[tilespmem:$0x1C980] =	vst v63  }
0x90: {  	_ =	swait.ge [sflag:s18], $0x800  }
0x91: {  	[sflag:s18] =	ssyncset.done $0x0  }
0x92: {  	s30 =	simm.s32 $0x10;
	[sflag:s18] =	ssyncadd.s32 $0xFFFFF800  }
0x93: {  	[spmem:s3] =	stream.indirect.scatter.add.f32 [tilespmem:s29], [sflag:$0x3], $0x80, s28, s30, $0xb8;
	[tilespmem:$0x1C980] =	vst v63  }
0x94: {  	_ =	swait.ge [sflag:s18], $0x800  }
0x95: {  	s31 =	sadd.s32 $0x1, s31;
	[sflag:s18] =	ssyncset.done $0x0  }
0x96: {  	p0 =	sne.s32 s31, s11;
	[sflag:s18] =	ssyncadd.s32 $0xFFFFF800  }
.Ltmp1:
0x97: {  	[bflag:$0x0] =	sbarrier.arrive $0xFFFF;
	(pc) =	sbr.rel @p0 .LBB2_1-.Ltmp1, $4  }
0x98: {  	[hbm:s24], [sflag:s6] =	dma.local [spmem:s17], $0x2800  }
0x99: {  	_ =	swait.ge [sflag:s18], $0x2800  }
0x9a: {  	[sflag:s18] =	ssyncset.done $0x0  }
0x9b: {  	[sflag:s18] =	ssyncadd.s32 $0xFFFFD800  }
0x9c: {  	_ =	sfence.sel $0x180000  }
0x9d: {  	[bflag:$0x0] =	sbarrier.arrive $0xFFFF  }
0x9e: {  	_ =	strace $0x9000004A  }
0x9f: {  	s0 =	stileid.u32;
	[bflag:$0x2] =	sbarrier.arrive $0xFFFF  }
0xa0: {  	p0 =	sne.s32 s0, $0x0;
	s0 =	rddreg [dreg:$0x3]  }
0xa1: {  	s0 =	sadd.s32 @!p0 $0x100000, s0  }
0xa2: {  	[sflag:s0] =	ssyncadd.tile.s32 @!p0 $0x1;
	_ =	shalt  }
.Lfunc_end2:
_tile_overlayer_lowered:
.L_overlay_start_2:
0xa3: {  	(tag) =	ssettag $0x2  }
0xa4: {  	s0 =	rddreg [dreg:$0x0];
	s2 =	stileid.u32  }
0xa5: {  	s1 =	rddreg [dreg:$0x1];
	p0 =	sne.s32 s2, $0x0  }
0xa6: {  	s3 =	rddreg [dreg:$0x2];
	[bflag:$0x3] =	sbarrier.arrive $0xFFFF;
	s2 =	simm.s32 @!p0 $0x1C03  }
0xa7: {  	[timem:s3], [sflag:s2] =	dma.local @!p0 [hbm:s0], s1  }
0xa8: {  	s0 =	simm.s32 @!p0 $0x3  }
0xa9: {  	_ =	swait.ge @!p0 [sflag:s0], s1  }
0xaa: {  	s1 =	ssub.s32 @!p0 $0x0, s1;
	[sflag:s0] =	ssyncset.done @!p0 $0x0  }
0xab: {  	[sflag:s0] =	ssyncadd.s32 @!p0 s1  }
0xac: {  	[bflag:$0x3] =	sbarrier.arrive $0xFFFF  }
0xad: {  	_ =	shalt  }

</sc_bundles>
